<compile_context>
chip_gen: v7x
topology: tpu7x:2x2x1
jax: 0.10.2.dev20260603
libtpu: 0.0.44.dev20260713+nightly
codegen_flags: <defaults>
</compile_context>

<pallas_src>
import functools

import jax
import jax.numpy as jnp
from jax import lax
from jax.experimental import pallas as pl
from jax.experimental.pallas import tpu as pltpu
from jax.experimental.pallas import tpu_sc as plsc

NUM_EMB = 1_000_000
DIMS = 32
B_TOTAL = 16384 * 50
NC, NS = 2, 16
NW = NC * NS
PER_W = B_TOTAL // NW
CW = 128
NCHUNK = PER_W // CW
NBUF = 8


def _make_gather():
    mesh = plsc.VectorSubcoreMesh(core_axis_name="c", subcore_axis_name="s")

    @functools.partial(
        pl.kernel,
        mesh=mesh,
        out_type=jax.ShapeDtypeStruct((B_TOTAL, DIMS), jnp.float32),
        scratch_types=[
            pltpu.VMEM((NCHUNK, CW), jnp.int32),
            pltpu.VMEM((NBUF, CW, DIMS), jnp.float32),
            pltpu.SemaphoreType.DMA((NBUF,)),
            pltpu.SemaphoreType.DMA((NBUF,)),
        ],
        compiler_params=pltpu.CompilerParams(use_tc_tiling_on_sc=False),
    )
    def gather_kernel(idx_hbm, table_hbm, out_hbm, idx_v, rows_v, gsem, ssem):
        wid = lax.axis_index("s") * NC + lax.axis_index("c")
        base = wid * PER_W
        pltpu.sync_copy(idx_hbm.at[pl.ds(wid * NCHUNK, NCHUNK)], idx_v)

        def burst(i, carry):
            g0 = i * NBUF
            gds = []
            for b in range(NBUF):
                @pl.when(i > 0)
                def _(b=b):
                    pltpu.make_async_copy(
                        rows_v.at[b], out_hbm.at[pl.ds(0, CW)], ssem.at[b]
                    ).wait()
                gds.append(
                    pltpu.async_copy(
                        table_hbm.at[idx_v.at[g0 + b]], rows_v.at[b], gsem.at[b]
                    )
                )
            for b in range(NBUF):
                gds[b].wait()
                pltpu.async_copy(
                    rows_v.at[b],
                    out_hbm.at[pl.ds(base + (g0 + b) * CW, CW)],
                    ssem.at[b],
                )
            return carry

        lax.fori_loop(0, NCHUNK // NBUF, burst, 0)
        for b in range(NBUF):
            pltpu.make_async_copy(
                rows_v.at[b], out_hbm.at[pl.ds(0, CW)], ssem.at[b]
            ).wait()

    return gather_kernel


_gather = _make_gather()


def kernel(input_index, embeds):
    idx = input_index.reshape(B_TOTAL // CW, CW).astype(jnp.int32)
    out = _gather(idx, embeds)
    return out.reshape(input_index.shape + (DIMS,))

# --- scband reference (transcript-rebuilt; emitter-appended) ---
"""Pipeline reference for scband-embeddings-31318901523068 (READ-ONLY COPY).

The authoritative reference and input builder live on the scoring server;
editing this copy changes nothing except your own understanding.
"""

import jax, jax.numpy as jnp
import numpy as np

NUM_EMBEDDINGS = 1000000
DIMS = 32
INIT_EPS = 0.001

def setup_inputs(seed: int = 0) -> dict:
    key = jax.random.key(seed)
    k1, k2 = jax.random.split(key)
    input_index = jax.random.randint(k1, (16384, 50), 0, NUM_EMBEDDINGS, dtype=jnp.int64 if jax.config.jax_enable_x64 else jnp.int32)
    # VectorEmbeddings: uniform(-init_eps, init_eps) table; euclidean manifold projx is identity
    embeds = jax.random.uniform(k2, (NUM_EMBEDDINGS, DIMS), dtype=jnp.float32, minval=-INIT_EPS, maxval=INIT_EPS)
    return {"input_index": input_index, "embeds": embeds}

def reference(input_index, embeds):
    # forward: self.embeds[input_index]
    return jnp.take(embeds, input_index, axis=0)

if __name__ == "__main__":
    import jax
    _d = setup_inputs()
    print(jax.jit(kernel)(*tuple(_d.values())))

</pallas_src>

<mosaic_0001>
#map = affine_map<(d0, d1) -> (0, 0)>
module attributes {stable_mosaic.version = 14 : i64} {
  func.func @gather_kernel(%arg0: i32, %arg1: i32, %arg2: memref<6400x128xi32, #tpu.memory_space<hbm>>, %arg3: memref<1000000x32xf32, #tpu.memory_space<hbm>>, %arg4: memref<819200x32xf32, #tpu.memory_space<hbm>>, %arg5: memref<200x128xi32, #tpu.memory_space<vmem>>, %arg6: memref<8x128x32xf32, #tpu.memory_space<vmem>>, %arg7: memref<8x!tpu.dma_semaphore, #tpu.memory_space<semaphore_mem>>, %arg8: memref<8x!tpu.dma_semaphore, #tpu.memory_space<semaphore_mem>>) attributes {dimension_semantics = [#tpu.dimension_semantics<core_parallel>, #tpu.dimension_semantics<subcore_parallel>], iteration_bounds = array<i64: 2, 16>, scalar_prefetch = 0 : i64, scratch_operands = 4 : i64, tpu.core_type = #tpu.core_type<sc_vector_subcore>, window_params = [{transform_indices = #map}, {transform_indices = #map}, {transform_indices = #map}]} {
    %mul3A = arith.constant 2 : i32
    %mul3A_0 = arith.muli %arg1, %mul3A : i32
    %add3A = arith.addi %mul3A_0, %arg0 : i32
    %mul3A_1 = arith.constant 25600 : i32
    %mul3A_2 = arith.muli %add3A, %mul3A_1 : i32
    %mul3A_3 = arith.constant 200 : i32
    %mul3A_4 = arith.muli %add3A, %mul3A_3 : i32
    "tpu.region"() ({
      %run_scoped3A = tpu.sem_alloc : memref<!tpu.dma_semaphore, #tpu.memory_space<semaphore_mem>>
      %dma_start3A = arith.constant 0 : i32
      %dma_start3A_153 = tpu.memref_slice %arg2[%mul3A_4, %dma_start3A] : memref<6400x128xi32, #tpu.memory_space<hbm>> -> memref<200x128xi32, #tpu.memory_space<hbm>>
      %dma_start3A_154 = arith.constant 0 : i32
      %dma_start3A_155 = tpu.memref_slice %arg2[%mul3A_4, %dma_start3A_154] : memref<6400x128xi32, #tpu.memory_space<hbm>> -> memref<200x128xi32, #tpu.memory_space<hbm>>
      tpu.enqueue_dma source(%dma_start3A_155 : memref<200x128xi32, #tpu.memory_space<hbm>>) target(%arg5 : memref<200x128xi32, #tpu.memory_space<vmem>>) target_semaphore(%run_scoped3A : memref<!tpu.dma_semaphore, #tpu.memory_space<semaphore_mem>>)
      %dma_wait3A_156 = arith.constant 0 : i32
      %dma_wait3A_157 = tpu.memref_slice %arg2[%mul3A_4, %dma_wait3A_156] : memref<6400x128xi32, #tpu.memory_space<hbm>> -> memref<200x128xi32, #tpu.memory_space<hbm>>
      %dma_wait3A_158 = arith.constant 0 : i32
      %dma_wait3A_159 = tpu.memref_slice %arg2[%mul3A_4, %dma_wait3A_158] : memref<6400x128xi32, #tpu.memory_space<hbm>> -> memref<200x128xi32, #tpu.memory_space<hbm>>
      tpu.wait_dma2 semaphore(%run_scoped3A : memref<!tpu.dma_semaphore, #tpu.memory_space<semaphore_mem>>) src(%dma_wait3A_159 : memref<200x128xi32, #tpu.memory_space<hbm>>) dst(%arg5 : memref<200x128xi32, #tpu.memory_space<vmem>>)
      tpu.yield
    }) : () -> ()
    %scan3A = arith.constant 0 : i32
    %scan3A_5 = arith.constant 0 : i32
    %scan3A_6 = arith.constant 25 : i32
    %scan3A_7 = arith.addi %scan3A_5, %scan3A_6 : i32
    %scan3A_8 = arith.constant 1 : i32
    scf.for %scan3A_153 = %scan3A_5 to %scan3A_7 step %scan3A_8  : i32 {
      %mul3A_154 = arith.constant 8 : i32
      %mul3A_155 = arith.muli %scan3A_153, %mul3A_154 : i32
      %gt3A = arith.constant 0 : i32
      %gt3A_156 = arith.cmpi sgt, %scan3A_153, %gt3A : i32
      %convert_element_type3A = arith.extui %gt3A_156 : i1 to i32
      %cond3A = arith.constant 0 : i32
      %cond3A_157 = arith.cmpi ne, %convert_element_type3A, %cond3A : i32
      scf.if %cond3A_157 {
        %dma_wait3A_600 = arith.constant 0 : i32
        %dma_wait3A_601 = arith.constant 0 : i32
        %dma_wait3A_602 = arith.constant 0 : i32
        %dma_wait3A_603 = arith.constant 0 : i32
        %dma_wait3A_604 = tpu.memref_slice %arg6[%dma_wait3A_600, %dma_wait3A_602, %dma_wait3A_603] : memref<8x128x32xf32, #tpu.memory_space<vmem>> -> memref<1x128x32xf32, #tpu.memory_space<vmem>>
        %dma_wait3A_605 = tpu.memref_squeeze %dma_wait3A_604 : memref<1x128x32xf32, #tpu.memory_space<vmem>> -> memref<128x32xf32, #tpu.memory_space<vmem>>
        %dma_wait3A_606 = arith.constant 0 : i32
        %dma_wait3A_607 = arith.constant 0 : i32
        %dma_wait3A_608 = tpu.memref_slice %arg4[%dma_wait3A_606, %dma_wait3A_607] : memref<819200x32xf32, #tpu.memory_space<hbm>> -> memref<128x32xf32, #tpu.memory_space<hbm>>
        %dma_wait3A_609 = tpu.memref_slice %arg8[%dma_wait3A_601] : memref<8x!tpu.dma_semaphore, #tpu.memory_space<semaphore_mem>> -> memref<1x!tpu.dma_semaphore, #tpu.memory_space<semaphore_mem>>
        %dma_wait3A_610 = tpu.memref_squeeze %dma_wait3A_609 : memref<1x!tpu.dma_semaphore, #tpu.memory_space<semaphore_mem>> -> memref<!tpu.dma_semaphore, #tpu.memory_space<semaphore_mem>>
        %dma_wait3A_611 = arith.constant 0 : i32
        %dma_wait3A_612 = arith.constant 0 : i32
        %dma_wait3A_613 = tpu.memref_slice %arg4[%dma_wait3A_611, %dma_wait3A_612] : memref<819200x32xf32, #tpu.memory_space<hbm>> -> memref<128x32xf32, #tpu.memory_space<hbm>>
        %dma_wait3A_614 = arith.constant 0 : i32
        %dma_wait3A_615 = arith.constant 0 : i32
        %dma_wait3A_616 = tpu.memref_slice %arg6[%dma_wait3A_600, %dma_wait3A_614, %dma_wait3A_615] : memref<8x128x32xf32, #tpu.memory_space<vmem>> -> memref<1x128x32xf32, #tpu.memory_space<vmem>>
        %dma_wait3A_617 = tpu.memref_squeeze %dma_wait3A_616 : memref<1x128x32xf32, #tpu.memory_space<vmem>> -> memref<128x32xf32, #tpu.memory_space<vmem>>
        tpu.wait_dma2 semaphore(%dma_wait3A_610 : memref<!tpu.dma_semaphore, #tpu.memory_space<semaphore_mem>>) src(%dma_wait3A_617 : memref<128x32xf32, #tpu.memory_space<vmem>>) dst(%dma_wait3A_613 : memref<128x32xf32, #tpu.memory_space<hbm>>)
      } else {
      }
      %add3A_158 = arith.constant 0 : i32
      %add3A_159 = arith.addi %mul3A_155, %add3A_158 : i32
      %dma_start3A = arith.constant 0 : i32
      %dma_start3A_160 = arith.constant 0 : i32
      %dma_start3A_161 = arith.constant 0 : i32
      %dma_start3A_162 = arith.constant 0 : i32
      %dma_start3A_163 = tpu.memref_slice %arg6[%dma_start3A, %dma_start3A_161, %dma_start3A_162] : memref<8x128x32xf32, #tpu.memory_space<vmem>> -> memref<1x128x32xf32, #tpu.memory_space<vmem>>
      %dma_start3A_164 = tpu.memref_squeeze %dma_start3A_163 : memref<1x128x32xf32, #tpu.memory_space<vmem>> -> memref<128x32xf32, #tpu.memory_space<vmem>>
      %dma_start3A_165 = arith.constant 0 : i32
      %dma_start3A_166 = tpu.memref_slice %arg5[%add3A_159, %dma_start3A_165] : memref<200x128xi32, #tpu.memory_space<vmem>> -> memref<1x128xi32, #tpu.memory_space<vmem>>
      %dma_start3A_167 = tpu.memref_squeeze %dma_start3A_166 : memref<1x128xi32, #tpu.memory_space<vmem>> -> memref<128xi32, #tpu.memory_space<vmem>>
      %dma_start3A_168 = arith.constant 0 : i32
      %dma_start3A_169 = arith.constant 0 : i32
      %dma_start3A_170 = tpu.memref_slice %arg3[%dma_start3A_168, %dma_start3A_169] : memref<1000000x32xf32, #tpu.memory_space<hbm>> -> memref<1000000x32xf32, #tpu.memory_space<hbm>>
      %dma_start3A_171 = tpu.memref_slice %arg7[%dma_start3A_160] : memref<8x!tpu.dma_semaphore, #tpu.memory_space<semaphore_mem>> -> memref<1x!tpu.dma_semaphore, #tpu.memory_space<semaphore_mem>>
      %dma_start3A_172 = tpu.memref_squeeze %dma_start3A_171 : memref<1x!tpu.dma_semaphore, #tpu.memory_space<semaphore_mem>> -> memref<!tpu.dma_semaphore, #tpu.memory_space<semaphore_mem>>
      tpu.enqueue_indirect_dma source(%dma_start3A_170 : memref<1000000x32xf32, #tpu.memory_space<hbm>>) target(%dma_start3A_164 : memref<128x32xf32, #tpu.memory_space<vmem>>) offsets(%dma_start3A_167 : memref<128xi32, #tpu.memory_space<vmem>>) semaphore(%dma_start3A_172 : memref<!tpu.dma_semaphore, #tpu.memory_space<semaphore_mem>>)
      %gt3A_173 = arith.constant 0 : i32
      %gt3A_174 = arith.cmpi sgt, %scan3A_153, %gt3A_173 : i32
      %convert_element_type3A_175 = arith.extui %gt3A_174 : i1 to i32
      %cond3A_176 = arith.constant 0 : i32
      %cond3A_177 = arith.cmpi ne, %convert_element_type3A_175, %cond3A_176 : i32
      scf.if %cond3A_177 {
        %dma_wait3A_600 = arith.constant 1 : i32
        %dma_wait3A_601 = arith.constant 1 : i32
        %dma_wait3A_602 = arith.constant 0 : i32
        %dma_wait3A_603 = arith.constant 0 : i32
        %dma_wait3A_604 = tpu.memref_slice %arg6[%dma_wait3A_600, %dma_wait3A_602, %dma_wait3A_603] : memref<8x128x32xf32, #tpu.memory_space<vmem>> -> memref<1x128x32xf32, #tpu.memory_space<vmem>>
        %dma_wait3A_605 = tpu.memref_squeeze %dma_wait3A_604 : memref<1x128x32xf32, #tpu.memory_space<vmem>> -> memref<128x32xf32, #tpu.memory_space<vmem>>
        %dma_wait3A_606 = arith.constant 0 : i32
        %dma_wait3A_607 = arith.constant 0 : i32
        %dma_wait3A_608 = tpu.memref_slice %arg4[%dma_wait3A_606, %dma_wait3A_607] : memref<819200x32xf32, #tpu.memory_space<hbm>> -> memref<128x32xf32, #tpu.memory_space<hbm>>
        %dma_wait3A_609 = tpu.memref_slice %arg8[%dma_wait3A_601] : memref<8x!tpu.dma_semaphore, #tpu.memory_space<semaphore_mem>> -> memref<1x!tpu.dma_semaphore, #tpu.memory_space<semaphore_mem>>
        %dma_wait3A_610 = tpu.memref_squeeze %dma_wait3A_609 : memref<1x!tpu.dma_semaphore, #tpu.memory_space<semaphore_mem>> -> memref<!tpu.dma_semaphore, #tpu.memory_space<semaphore_mem>>
        %dma_wait3A_611 = arith.constant 0 : i32
        %dma_wait3A_612 = arith.constant 0 : i32
        %dma_wait3A_613 = tpu.memref_slice %arg4[%dma_wait3A_611, %dma_wait3A_612] : memref<819200x32xf32, #tpu.memory_space<hbm>> -> memref<128x32xf32, #tpu.memory_space<hbm>>
        %dma_wait3A_614 = arith.constant 0 : i32
        %dma_wait3A_615 = arith.constant 0 : i32
        %dma_wait3A_616 = tpu.memref_slice %arg6[%dma_wait3A_600, %dma_wait3A_614, %dma_wait3A_615] : memref<8x128x32xf32, #tpu.memory_space<vmem>> -> memref<1x128x32xf32, #tpu.memory_space<vmem>>
        %dma_wait3A_617 = tpu.memref_squeeze %dma_wait3A_616 : memref<1x128x32xf32, #tpu.memory_space<vmem>> -> memref<128x32xf32, #tpu.memory_space<vmem>>
        tpu.wait_dma2 semaphore(%dma_wait3A_610 : memref<!tpu.dma_semaphore, #tpu.memory_space<semaphore_mem>>) src(%dma_wait3A_617 : memref<128x32xf32, #tpu.memory_space<vmem>>) dst(%dma_wait3A_613 : memref<128x32xf32, #tpu.memory_space<hbm>>)
      } else {
      }
      %add3A_178 = arith.constant 1 : i32
      %add3A_179 = arith.addi %mul3A_155, %add3A_178 : i32
      %dma_start3A_180 = arith.constant 1 : i32
      %dma_start3A_181 = arith.constant 1 : i32
      %dma_start3A_182 = arith.constant 0 : i32
      %dma_start3A_183 = arith.constant 0 : i32
      %dma_start3A_184 = tpu.memref_slice %arg6[%dma_start3A_180, %dma_start3A_182, %dma_start3A_183] : memref<8x128x32xf32, #tpu.memory_space<vmem>> -> memref<1x128x32xf32, #tpu.memory_space<vmem>>
      %dma_start3A_185 = tpu.memref_squeeze %dma_start3A_184 : memref<1x128x32xf32, #tpu.memory_space<vmem>> -> memref<128x32xf32, #tpu.memory_space<vmem>>
      %dma_start3A_186 = arith.constant 0 : i32
      %dma_start3A_187 = tpu.memref_slice %arg5[%add3A_179, %dma_start3A_186] : memref<200x128xi32, #tpu.memory_space<vmem>> -> memref<1x128xi32, #tpu.memory_space<vmem>>
      %dma_start3A_188 = tpu.memref_squeeze %dma_start3A_187 : memref<1x128xi32, #tpu.memory_space<vmem>> -> memref<128xi32, #tpu.memory_space<vmem>>
      %dma_start3A_189 = arith.constant 0 : i32
      %dma_start3A_190 = arith.constant 0 : i32
      %dma_start3A_191 = tpu.memref_slice %arg3[%dma_start3A_189, %dma_start3A_190] : memref<1000000x32xf32, #tpu.memory_space<hbm>> -> memref<1000000x32xf32, #tpu.memory_space<hbm>>
      %dma_start3A_192 = tpu.memref_slice %arg7[%dma_start3A_181] : memref<8x!tpu.dma_semaphore, #tpu.memory_space<semaphore_mem>> -> memref<1x!tpu.dma_semaphore, #tpu.memory_space<semaphore_mem>>
      %dma_start3A_193 = tpu.memref_squeeze %dma_start3A_192 : memref<1x!tpu.dma_semaphore, #tpu.memory_space<semaphore_mem>> -> memref<!tpu.dma_semaphore, #tpu.memory_space<semaphore_mem>>
      tpu.enqueue_indirect_dma source(%dma_start3A_191 : memref<1000000x32xf32, #tpu.memory_space<hbm>>) target(%dma_start3A_185 : memref<128x32xf32, #tpu.memory_space<vmem>>) offsets(%dma_start3A_188 : memref<128xi32, #tpu.memory_space<vmem>>) semaphore(%dma_start3A_193 : memref<!tpu.dma_semaphore, #tpu.memory_space<semaphore_mem>>)
      %gt3A_194 = arith.constant 0 : i32
      %gt3A_195 = arith.cmpi sgt, %scan3A_153, %gt3A_194 : i32
      %convert_element_type3A_196 = arith.extui %gt3A_195 : i1 to i32
      %cond3A_197 = arith.constant 0 : i32
      %cond3A_198 = arith.cmpi ne, %convert_element_type3A_196, %cond3A_197 : i32
      scf.if %cond3A_198 {
        %dma_wait3A_600 = arith.constant 2 : i32
        %dma_wait3A_601 = arith.constant 2 : i32
        %dma_wait3A_602 = arith.constant 0 : i32
        %dma_wait3A_603 = arith.constant 0 : i32
        %dma_wait3A_604 = tpu.memref_slice %arg6[%dma_wait3A_600, %dma_wait3A_602, %dma_wait3A_603] : memref<8x128x32xf32, #tpu.memory_space<vmem>> -> memref<1x128x32xf32, #tpu.memory_space<vmem>>
        %dma_wait3A_605 = tpu.memref_squeeze %dma_wait3A_604 : memref<1x128x32xf32, #tpu.memory_space<vmem>> -> memref<128x32xf32, #tpu.memory_space<vmem>>
        %dma_wait3A_606 = arith.constant 0 : i32
        %dma_wait3A_607 = arith.constant 0 : i32
        %dma_wait3A_608 = tpu.memref_slice %arg4[%dma_wait3A_606, %dma_wait3A_607] : memref<819200x32xf32, #tpu.memory_space<hbm>> -> memref<128x32xf32, #tpu.memory_space<hbm>>
        %dma_wait3A_609 = tpu.memref_slice %arg8[%dma_wait3A_601] : memref<8x!tpu.dma_semaphore, #tpu.memory_space<semaphore_mem>> -> memref<1x!tpu.dma_semaphore, #tpu.memory_space<semaphore_mem>>
        %dma_wait3A_610 = tpu.memref_squeeze %dma_wait3A_609 : memref<1x!tpu.dma_semaphore, #tpu.memory_space<semaphore_mem>> -> memref<!tpu.dma_semaphore, #tpu.memory_space<semaphore_mem>>
        %dma_wait3A_611 = arith.constant 0 : i32
        %dma_wait3A_612 = arith.constant 0 : i32
        %dma_wait3A_613 = tpu.memref_slice %arg4[%dma_wait3A_611, %dma_wait3A_612] : memref<819200x32xf32, #tpu.memory_space<hbm>> -> memref<128x32xf32, #tpu.memory_space<hbm>>
        %dma_wait3A_614 = arith.constant 0 : i32
        %dma_wait3A_615 = arith.constant 0 : i32
        %dma_wait3A_616 = tpu.memref_slice %arg6[%dma_wait3A_600, %dma_wait3A_614, %dma_wait3A_615] : memref<8x128x32xf32, #tpu.memory_space<vmem>> -> memref<1x128x32xf32, #tpu.memory_space<vmem>>
        %dma_wait3A_617 = tpu.memref_squeeze %dma_wait3A_616 : memref<1x128x32xf32, #tpu.memory_space<vmem>> -> memref<128x32xf32, #tpu.memory_space<vmem>>
        tpu.wait_dma2 semaphore(%dma_wait3A_610 : memref<!tpu.dma_semaphore, #tpu.memory_space<semaphore_mem>>) src(%dma_wait3A_617 : memref<128x32xf32, #tpu.memory_space<vmem>>) dst(%dma_wait3A_613 : memref<128x32xf32, #tpu.memory_space<hbm>>)
      } else {
      }
      %add3A_199 = arith.constant 2 : i32
      %add3A_200 = arith.addi %mul3A_155, %add3A_199 : i32
      %dma_start3A_201 = arith.constant 2 : i32
      %dma_start3A_202 = arith.constant 2 : i32
      %dma_start3A_203 = arith.constant 0 : i32
      %dma_start3A_204 = arith.constant 0 : i32
      %dma_start3A_205 = tpu.memref_slice %arg6[%dma_start3A_201, %dma_start3A_203, %dma_start3A_204] : memref<8x128x32xf32, #tpu.memory_space<vmem>> -> memref<1x128x32xf32, #tpu.memory_space<vmem>>
      %dma_start3A_206 = tpu.memref_squeeze %dma_start3A_205 : memref<1x128x32xf32, #tpu.memory_space<vmem>> -> memref<128x32xf32, #tpu.memory_space<vmem>>
      %dma_start3A_207 = arith.constant 0 : i32
      %dma_start3A_208 = tpu.memref_slice %arg5[%add3A_200, %dma_start3A_207] : memref<200x128xi32, #tpu.memory_space<vmem>> -> memref<1x128xi32, #tpu.memory_space<vmem>>
      %dma_start3A_209 = tpu.memref_squeeze %dma_start3A_208 : memref<1x128xi32, #tpu.memory_space<vmem>> -> memref<128xi32, #tpu.memory_space<vmem>>
      %dma_start3A_210 = arith.constant 0 : i32
      %dma_start3A_211 = arith.constant 0 : i32
      %dma_start3A_212 = tpu.memref_slice %arg3[%dma_start3A_210, %dma_start3A_211] : memref<1000000x32xf32, #tpu.memory_space<hbm>> -> memref<1000000x32xf32, #tpu.memory_space<hbm>>
      %dma_start3A_213 = tpu.memref_slice %arg7[%dma_start3A_202] : memref<8x!tpu.dma_semaphore, #tpu.memory_space<semaphore_mem>> -> memref<1x!tpu.dma_semaphore, #tpu.memory_space<semaphore_mem>>
      %dma_start3A_214 = tpu.memref_squeeze %dma_start3A_213 : memref<1x!tpu.dma_semaphore, #tpu.memory_space<semaphore_mem>> -> memref<!tpu.dma_semaphore, #tpu.memory_space<semaphore_mem>>
      tpu.enqueue_indirect_dma source(%dma_start3A_212 : memref<1000000x32xf32, #tpu.memory_space<hbm>>) target(%dma_start3A_206 : memref<128x32xf32, #tpu.memory_space<vmem>>) offsets(%dma_start3A_209 : memref<128xi32, #tpu.memory_space<vmem>>) semaphore(%dma_start3A_214 : memref<!tpu.dma_semaphore, #tpu.memory_space<semaphore_mem>>)
      %gt3A_215 = arith.constant 0 : i32
      %gt3A_216 = arith.cmpi sgt, %scan3A_153, %gt3A_215 : i32
      %convert_element_type3A_217 = arith.extui %gt3A_216 : i1 to i32
      %cond3A_218 = arith.constant 0 : i32
      %cond3A_219 = arith.cmpi ne, %convert_element_type3A_217, %cond3A_218 : i32
      scf.if %cond3A_219 {
        %dma_wait3A_600 = arith.constant 3 : i32
        %dma_wait3A_601 = arith.constant 3 : i32
        %dma_wait3A_602 = arith.constant 0 : i32
        %dma_wait3A_603 = arith.constant 0 : i32
        %dma_wait3A_604 = tpu.memref_slice %arg6[%dma_wait3A_600, %dma_wait3A_602, %dma_wait3A_603] : memref<8x128x32xf32, #tpu.memory_space<vmem>> -> memref<1x128x32xf32, #tpu.memory_space<vmem>>
        %dma_wait3A_605 = tpu.memref_squeeze %dma_wait3A_604 : memref<1x128x32xf32, #tpu.memory_space<vmem>> -> memref<128x32xf32, #tpu.memory_space<vmem>>
        %dma_wait3A_606 = arith.constant 0 : i32
        %dma_wait3A_607 = arith.constant 0 : i32
        %dma_wait3A_608 = tpu.memref_slice %arg4[%dma_wait3A_606, %dma_wait3A_607] : memref<819200x32xf32, #tpu.memory_space<hbm>> -> memref<128x32xf32, #tpu.memory_space<hbm>>
        %dma_wait3A_609 = tpu.memref_slice %arg8[%dma_wait3A_601] : memref<8x!tpu.dma_semaphore, #tpu.memory_space<semaphore_mem>> -> memref<1x!tpu.dma_semaphore, #tpu.memory_space<semaphore_mem>>
        %dma_wait3A_610 = tpu.memref_squeeze %dma_wait3A_609 : memref<1x!tpu.dma_semaphore, #tpu.memory_space<semaphore_mem>> -> memref<!tpu.dma_semaphore, #tpu.memory_space<semaphore_mem>>
        %dma_wait3A_611 = arith.constant 0 : i32
        %dma_wait3A_612 = arith.constant 0 : i32
        %dma_wait3A_613 = tpu.memref_slice %arg4[%dma_wait3A_611, %dma_wait3A_612] : memref<819200x32xf32, #tpu.memory_space<hbm>> -> memref<128x32xf32, #tpu.memory_space<hbm>>
        %dma_wait3A_614 = arith.constant 0 : i32
        %dma_wait3A_615 = arith.constant 0 : i32
        %dma_wait3A_616 = tpu.memref_slice %arg6[%dma_wait3A_600, %dma_wait3A_614, %dma_wait3A_615] : memref<8x128x32xf32, #tpu.memory_space<vmem>> -> memref<1x128x32xf32, #tpu.memory_space<vmem>>
        %dma_wait3A_617 = tpu.memref_squeeze %dma_wait3A_616 : memref<1x128x32xf32, #tpu.memory_space<vmem>> -> memref<128x32xf32, #tpu.memory_space<vmem>>
        tpu.wait_dma2 semaphore(%dma_wait3A_610 : memref<!tpu.dma_semaphore, #tpu.memory_space<semaphore_mem>>) src(%dma_wait3A_617 : memref<128x32xf32, #tpu.memory_space<vmem>>) dst(%dma_wait3A_613 : memref<128x32xf32, #tpu.memory_space<hbm>>)
      } else {
      }
      %add3A_220 = arith.constant 3 : i32
      %add3A_221 = arith.addi %mul3A_155, %add3A_220 : i32
      %dma_start3A_222 = arith.constant 3 : i32
      %dma_start3A_223 = arith.constant 3 : i32
      %dma_start3A_224 = arith.constant 0 : i32
      %dma_start3A_225 = arith.constant 0 : i32
      %dma_start3A_226 = tpu.memref_slice %arg6[%dma_start3A_222, %dma_start3A_224, %dma_start3A_225] : memref<8x128x32xf32, #tpu.memory_space<vmem>> -> memref<1x128x32xf32, #tpu.memory_space<vmem>>
      %dma_start3A_227 = tpu.memref_squeeze %dma_start3A_226 : memref<1x128x32xf32, #tpu.memory_space<vmem>> -> memref<128x32xf32, #tpu.memory_space<vmem>>
      %dma_start3A_228 = arith.constant 0 : i32
      %dma_start3A_229 = tpu.memref_slice %arg5[%add3A_221, %dma_start3A_228] : memref<200x128xi32, #tpu.memory_space<vmem>> -> memref<1x128xi32, #tpu.memory_space<vmem>>
      %dma_start3A_230 = tpu.memref_squeeze %dma_start3A_229 : memref<1x128xi32, #tpu.memory_space<vmem>> -> memref<128xi32, #tpu.memory_space<vmem>>
      %dma_start3A_231 = arith.constant 0 : i32
      %dma_start3A_232 = arith.constant 0 : i32
      %dma_start3A_233 = tpu.memref_slice %arg3[%dma_start3A_231, %dma_start3A_232] : memref<1000000x32xf32, #tpu.memory_space<hbm>> -> memref<1000000x32xf32, #tpu.memory_space<hbm>>
      %dma_start3A_234 = tpu.memref_slice %arg7[%dma_start3A_223] : memref<8x!tpu.dma_semaphore, #tpu.memory_space<semaphore_mem>> -> memref<1x!tpu.dma_semaphore, #tpu.memory_space<semaphore_mem>>
      %dma_start3A_235 = tpu.memref_squeeze %dma_start3A_234 : memref<1x!tpu.dma_semaphore, #tpu.memory_space<semaphore_mem>> -> memref<!tpu.dma_semaphore, #tpu.memory_space<semaphore_mem>>
      tpu.enqueue_indirect_dma source(%dma_start3A_233 : memref<1000000x32xf32, #tpu.memory_space<hbm>>) target(%dma_start3A_227 : memref<128x32xf32, #tpu.memory_space<vmem>>) offsets(%dma_start3A_230 : memref<128xi32, #tpu.memory_space<vmem>>) semaphore(%dma_start3A_235 : memref<!tpu.dma_semaphore, #tpu.memory_space<semaphore_mem>>)
      %gt3A_236 = arith.constant 0 : i32
      %gt3A_237 = arith.cmpi sgt, %scan3A_153, %gt3A_236 : i32
      %convert_element_type3A_238 = arith.extui %gt3A_237 : i1 to i32
      %cond3A_239 = arith.constant 0 : i32
      %cond3A_240 = arith.cmpi ne, %convert_element_type3A_238, %cond3A_239 : i32
      scf.if %cond3A_240 {
        %dma_wait3A_600 = arith.constant 4 : i32
        %dma_wait3A_601 = arith.constant 4 : i32
        %dma_wait3A_602 = arith.constant 0 : i32
        %dma_wait3A_603 = arith.constant 0 : i32
        %dma_wait3A_604 = tpu.memref_slice %arg6[%dma_wait3A_600, %dma_wait3A_602, %dma_wait3A_603] : memref<8x128x32xf32, #tpu.memory_space<vmem>> -> memref<1x128x32xf32, #tpu.memory_space<vmem>>
        %dma_wait3A_605 = tpu.memref_squeeze %dma_wait3A_604 : memref<1x128x32xf32, #tpu.memory_space<vmem>> -> memref<128x32xf32, #tpu.memory_space<vmem>>
        %dma_wait3A_606 = arith.constant 0 : i32
        %dma_wait3A_607 = arith.constant 0 : i32
        %dma_wait3A_608 = tpu.memref_slice %arg4[%dma_wait3A_606, %dma_wait3A_607] : memref<819200x32xf32, #tpu.memory_space<hbm>> -> memref<128x32xf32, #tpu.memory_space<hbm>>
        %dma_wait3A_609 = tpu.memref_slice %arg8[%dma_wait3A_601] : memref<8x!tpu.dma_semaphore, #tpu.memory_space<semaphore_mem>> -> memref<1x!tpu.dma_semaphore, #tpu.memory_space<semaphore_mem>>
        %dma_wait3A_610 = tpu.memref_squeeze %dma_wait3A_609 : memref<1x!tpu.dma_semaphore, #tpu.memory_space<semaphore_mem>> -> memref<!tpu.dma_semaphore, #tpu.memory_space<semaphore_mem>>
        %dma_wait3A_611 = arith.constant 0 : i32
        %dma_wait3A_612 = arith.constant 0 : i32
        %dma_wait3A_613 = tpu.memref_slice %arg4[%dma_wait3A_611, %dma_wait3A_612] : memref<819200x32xf32, #tpu.memory_space<hbm>> -> memref<128x32xf32, #tpu.memory_space<hbm>>
        %dma_wait3A_614 = arith.constant 0 : i32
        %dma_wait3A_615 = arith.constant 0 : i32
        %dma_wait3A_616 = tpu.memref_slice %arg6[%dma_wait3A_600, %dma_wait3A_614, %dma_wait3A_615] : memref<8x128x32xf32, #tpu.memory_space<vmem>> -> memref<1x128x32xf32, #tpu.memory_space<vmem>>
        %dma_wait3A_617 = tpu.memref_squeeze %dma_wait3A_616 : memref<1x128x32xf32, #tpu.memory_space<vmem>> -> memref<128x32xf32, #tpu.memory_space<vmem>>
        tpu.wait_dma2 semaphore(%dma_wait3A_610 : memref<!tpu.dma_semaphore, #tpu.memory_space<semaphore_mem>>) src(%dma_wait3A_617 : memref<128x32xf32, #tpu.memory_space<vmem>>) dst(%dma_wait3A_613 : memref<128x32xf32, #tpu.memory_space<hbm>>)
      } else {
      }
      %add3A_241 = arith.constant 4 : i32
      %add3A_242 = arith.addi %mul3A_155, %add3A_241 : i32
      %dma_start3A_243 = arith.constant 4 : i32
      %dma_start3A_244 = arith.constant 4 : i32
      %dma_start3A_245 = arith.constant 0 : i32
      %dma_start3A_246 = arith.constant 0 : i32
      %dma_start3A_247 = tpu.memref_slice %arg6[%dma_start3A_243, %dma_start3A_245, %dma_start3A_246] : memref<8x128x32xf32, #tpu.memory_space<vmem>> -> memref<1x128x32xf32, #tpu.memory_space<vmem>>
      %dma_start3A_248 = tpu.memref_squeeze %dma_start3A_247 : memref<1x128x32xf32, #tpu.memory_space<vmem>> -> memref<128x32xf32, #tpu.memory_space<vmem>>
      %dma_start3A_249 = arith.constant 0 : i32
      %dma_start3A_250 = tpu.memref_slice %arg5[%add3A_242, %dma_start3A_249] : memref<200x128xi32, #tpu.memory_space<vmem>> -> memref<1x128xi32, #tpu.memory_space<vmem>>
      %dma_start3A_251 = tpu.memref_squeeze %dma_start3A_250 : memref<1x128xi32, #tpu.memory_space<vmem>> -> memref<128xi32, #tpu.memory_space<vmem>>
      %dma_start3A_252 = arith.constant 0 : i32
      %dma_start3A_253 = arith.constant 0 : i32
      %dma_start3A_254 = tpu.memref_slice %arg3[%dma_start3A_252, %dma_start3A_253] : memref<1000000x32xf32, #tpu.memory_space<hbm>> -> memref<1000000x32xf32, #tpu.memory_space<hbm>>
      %dma_start3A_255 = tpu.memref_slice %arg7[%dma_start3A_244] : memref<8x!tpu.dma_semaphore, #tpu.memory_space<semaphore_mem>> -> memref<1x!tpu.dma_semaphore, #tpu.memory_space<semaphore_mem>>
      %dma_start3A_256 = tpu.memref_squeeze %dma_start3A_255 : memref<1x!tpu.dma_semaphore, #tpu.memory_space<semaphore_mem>> -> memref<!tpu.dma_semaphore, #tpu.memory_space<semaphore_mem>>
      tpu.enqueue_indirect_dma source(%dma_start3A_254 : memref<1000000x32xf32, #tpu.memory_space<hbm>>) target(%dma_start3A_248 : memref<128x32xf32, #tpu.memory_space<vmem>>) offsets(%dma_start3A_251 : memref<128xi32, #tpu.memory_space<vmem>>) semaphore(%dma_start3A_256 : memref<!tpu.dma_semaphore, #tpu.memory_space<semaphore_mem>>)
      %gt3A_257 = arith.constant 0 : i32
      %gt3A_258 = arith.cmpi sgt, %scan3A_153, %gt3A_257 : i32
      %convert_element_type3A_259 = arith.extui %gt3A_258 : i1 to i32
      %cond3A_260 = arith.constant 0 : i32
      %cond3A_261 = arith.cmpi ne, %convert_element_type3A_259, %cond3A_260 : i32
      scf.if %cond3A_261 {
        %dma_wait3A_600 = arith.constant 5 : i32
        %dma_wait3A_601 = arith.constant 5 : i32
        %dma_wait3A_602 = arith.constant 0 : i32
        %dma_wait3A_603 = arith.constant 0 : i32
        %dma_wait3A_604 = tpu.memref_slice %arg6[%dma_wait3A_600, %dma_wait3A_602, %dma_wait3A_603] : memref<8x128x32xf32, #tpu.memory_space<vmem>> -> memref<1x128x32xf32, #tpu.memory_space<vmem>>
        %dma_wait3A_605 = tpu.memref_squeeze %dma_wait3A_604 : memref<1x128x32xf32, #tpu.memory_space<vmem>> -> memref<128x32xf32, #tpu.memory_space<vmem>>
        %dma_wait3A_606 = arith.constant 0 : i32
        %dma_wait3A_607 = arith.constant 0 : i32
        %dma_wait3A_608 = tpu.memref_slice %arg4[%dma_wait3A_606, %dma_wait3A_607] : memref<819200x32xf32, #tpu.memory_space<hbm>> -> memref<128x32xf32, #tpu.memory_space<hbm>>
        %dma_wait3A_609 = tpu.memref_slice %arg8[%dma_wait3A_601] : memref<8x!tpu.dma_semaphore, #tpu.memory_space<semaphore_mem>> -> memref<1x!tpu.dma_semaphore, #tpu.memory_space<semaphore_mem>>
        %dma_wait3A_610 = tpu.memref_squeeze %dma_wait3A_609 : memref<1x!tpu.dma_semaphore, #tpu.memory_space<semaphore_mem>> -> memref<!tpu.dma_semaphore, #tpu.memory_space<semaphore_mem>>
        %dma_wait3A_611 = arith.constant 0 : i32
        %dma_wait3A_612 = arith.constant 0 : i32
        %dma_wait3A_613 = tpu.memref_slice %arg4[%dma_wait3A_611, %dma_wait3A_612] : memref<819200x32xf32, #tpu.memory_space<hbm>> -> memref<128x32xf32, #tpu.memory_space<hbm>>
        %dma_wait3A_614 = arith.constant 0 : i32
        %dma_wait3A_615 = arith.constant 0 : i32
        %dma_wait3A_616 = tpu.memref_slice %arg6[%dma_wait3A_600, %dma_wait3A_614, %dma_wait3A_615] : memref<8x128x32xf32, #tpu.memory_space<vmem>> -> memref<1x128x32xf32, #tpu.memory_space<vmem>>
        %dma_wait3A_617 = tpu.memref_squeeze %dma_wait3A_616 : memref<1x128x32xf32, #tpu.memory_space<vmem>> -> memref<128x32xf32, #tpu.memory_space<vmem>>
        tpu.wait_dma2 semaphore(%dma_wait3A_610 : memref<!tpu.dma_semaphore, #tpu.memory_space<semaphore_mem>>) src(%dma_wait3A_617 : memref<128x32xf32, #tpu.memory_space<vmem>>) dst(%dma_wait3A_613 : memref<128x32xf32, #tpu.memory_space<hbm>>)
      } else {
      }
      %add3A_262 = arith.constant 5 : i32
      %add3A_263 = arith.addi %mul3A_155, %add3A_262 : i32
      %dma_start3A_264 = arith.constant 5 : i32
      %dma_start3A_265 = arith.constant 5 : i32
      %dma_start3A_266 = arith.constant 0 : i32
      %dma_start3A_267 = arith.constant 0 : i32
      %dma_start3A_268 = tpu.memref_slice %arg6[%dma_start3A_264, %dma_start3A_266, %dma_start3A_267] : memref<8x128x32xf32, #tpu.memory_space<vmem>> -> memref<1x128x32xf32, #tpu.memory_space<vmem>>
      %dma_start3A_269 = tpu.memref_squeeze %dma_start3A_268 : memref<1x128x32xf32, #tpu.memory_space<vmem>> -> memref<128x32xf32, #tpu.memory_space<vmem>>
      %dma_start3A_270 = arith.constant 0 : i32
      %dma_start3A_271 = tpu.memref_slice %arg5[%add3A_263, %dma_start3A_270] : memref<200x128xi32, #tpu.memory_space<vmem>> -> memref<1x128xi32, #tpu.memory_space<vmem>>
      %dma_start3A_272 = tpu.memref_squeeze %dma_start3A_271 : memref<1x128xi32, #tpu.memory_space<vmem>> -> memref<128xi32, #tpu.memory_space<vmem>>
      %dma_start3A_273 = arith.constant 0 : i32
      %dma_start3A_274 = arith.constant 0 : i32
      %dma_start3A_275 = tpu.memref_slice %arg3[%dma_start3A_273, %dma_start3A_274] : memref<1000000x32xf32, #tpu.memory_space<hbm>> -> memref<1000000x32xf32, #tpu.memory_space<hbm>>
      %dma_start3A_276 = tpu.memref_slice %arg7[%dma_start3A_265] : memref<8x!tpu.dma_semaphore, #tpu.memory_space<semaphore_mem>> -> memref<1x!tpu.dma_semaphore, #tpu.memory_space<semaphore_mem>>
      %dma_start3A_277 = tpu.memref_squeeze %dma_start3A_276 : memref<1x!tpu.dma_semaphore, #tpu.memory_space<semaphore_mem>> -> memref<!tpu.dma_semaphore, #tpu.memory_space<semaphore_mem>>
      tpu.enqueue_indirect_dma source(%dma_start3A_275 : memref<1000000x32xf32, #tpu.memory_space<hbm>>) target(%dma_start3A_269 : memref<128x32xf32, #tpu.memory_space<vmem>>) offsets(%dma_start3A_272 : memref<128xi32, #tpu.memory_space<vmem>>) semaphore(%dma_start3A_277 : memref<!tpu.dma_semaphore, #tpu.memory_space<semaphore_mem>>)
      %gt3A_278 = arith.constant 0 : i32
      %gt3A_279 = arith.cmpi sgt, %scan3A_153, %gt3A_278 : i32
      %convert_element_type3A_280 = arith.extui %gt3A_279 : i1 to i32
      %cond3A_281 = arith.constant 0 : i32
      %cond3A_282 = arith.cmpi ne, %convert_element_type3A_280, %cond3A_281 : i32
      scf.if %cond3A_282 {
        %dma_wait3A_600 = arith.constant 6 : i32
        %dma_wait3A_601 = arith.constant 6 : i32
        %dma_wait3A_602 = arith.constant 0 : i32
        %dma_wait3A_603 = arith.constant 0 : i32
        %dma_wait3A_604 = tpu.memref_slice %arg6[%dma_wait3A_600, %dma_wait3A_602, %dma_wait3A_603] : memref<8x128x32xf32, #tpu.memory_space<vmem>> -> memref<1x128x32xf32, #tpu.memory_space<vmem>>
        %dma_wait3A_605 = tpu.memref_squeeze %dma_wait3A_604 : memref<1x128x32xf32, #tpu.memory_space<vmem>> -> memref<128x32xf32, #tpu.memory_space<vmem>>
        %dma_wait3A_606 = arith.constant 0 : i32
        %dma_wait3A_607 = arith.constant 0 : i32
        %dma_wait3A_608 = tpu.memref_slice %arg4[%dma_wait3A_606, %dma_wait3A_607] : memref<819200x32xf32, #tpu.memory_space<hbm>> -> memref<128x32xf32, #tpu.memory_space<hbm>>
        %dma_wait3A_609 = tpu.memref_slice %arg8[%dma_wait3A_601] : memref<8x!tpu.dma_semaphore, #tpu.memory_space<semaphore_mem>> -> memref<1x!tpu.dma_semaphore, #tpu.memory_space<semaphore_mem>>
        %dma_wait3A_610 = tpu.memref_squeeze %dma_wait3A_609 : memref<1x!tpu.dma_semaphore, #tpu.memory_space<semaphore_mem>> -> memref<!tpu.dma_semaphore, #tpu.memory_space<semaphore_mem>>
        %dma_wait3A_611 = arith.constant 0 : i32
        %dma_wait3A_612 = arith.constant 0 : i32
        %dma_wait3A_613 = tpu.memref_slice %arg4[%dma_wait3A_611, %dma_wait3A_612] : memref<819200x32xf32, #tpu.memory_space<hbm>> -> memref<128x32xf32, #tpu.memory_space<hbm>>
        %dma_wait3A_614 = arith.constant 0 : i32
        %dma_wait3A_615 = arith.constant 0 : i32
        %dma_wait3A_616 = tpu.memref_slice %arg6[%dma_wait3A_600, %dma_wait3A_614, %dma_wait3A_615] : memref<8x128x32xf32, #tpu.memory_space<vmem>> -> memref<1x128x32xf32, #tpu.memory_space<vmem>>
        %dma_wait3A_617 = tpu.memref_squeeze %dma_wait3A_616 : memref<1x128x32xf32, #tpu.memory_space<vmem>> -> memref<128x32xf32, #tpu.memory_space<vmem>>
        tpu.wait_dma2 semaphore(%dma_wait3A_610 : memref<!tpu.dma_semaphore, #tpu.memory_space<semaphore_mem>>) src(%dma_wait3A_617 : memref<128x32xf32, #tpu.memory_space<vmem>>) dst(%dma_wait3A_613 : memref<128x32xf32, #tpu.memory_space<hbm>>)
      } else {
      }
      %add3A_283 = arith.constant 6 : i32
      %add3A_284 = arith.addi %mul3A_155, %add3A_283 : i32
      %dma_start3A_285 = arith.constant 6 : i32
      %dma_start3A_286 = arith.constant 6 : i32
      %dma_start3A_287 = arith.constant 0 : i32
      %dma_start3A_288 = arith.constant 0 : i32
      %dma_start3A_289 = tpu.memref_slice %arg6[%dma_start3A_285, %dma_start3A_287, %dma_start3A_288] : memref<8x128x32xf32, #tpu.memory_space<vmem>> -> memref<1x128x32xf32, #tpu.memory_space<vmem>>
      %dma_start3A_290 = tpu.memref_squeeze %dma_start3A_289 : memref<1x128x32xf32, #tpu.memory_space<vmem>> -> memref<128x32xf32, #tpu.memory_space<vmem>>
      %dma_start3A_291 = arith.constant 0 : i32
      %dma_start3A_292 = tpu.memref_slice %arg5[%add3A_284, %dma_start3A_291] : memref<200x128xi32, #tpu.memory_space<vmem>> -> memref<1x128xi32, #tpu.memory_space<vmem>>
      %dma_start3A_293 = tpu.memref_squeeze %dma_start3A_292 : memref<1x128xi32, #tpu.memory_space<vmem>> -> memref<128xi32, #tpu.memory_space<vmem>>
      %dma_start3A_294 = arith.constant 0 : i32
      %dma_start3A_295 = arith.constant 0 : i32
      %dma_start3A_296 = tpu.memref_slice %arg3[%dma_start3A_294, %dma_start3A_295] : memref<1000000x32xf32, #tpu.memory_space<hbm>> -> memref<1000000x32xf32, #tpu.memory_space<hbm>>
      %dma_start3A_297 = tpu.memref_slice %arg7[%dma_start3A_286] : memref<8x!tpu.dma_semaphore, #tpu.memory_space<semaphore_mem>> -> memref<1x!tpu.dma_semaphore, #tpu.memory_space<semaphore_mem>>
      %dma_start3A_298 = tpu.memref_squeeze %dma_start3A_297 : memref<1x!tpu.dma_semaphore, #tpu.memory_space<semaphore_mem>> -> memref<!tpu.dma_semaphore, #tpu.memory_space<semaphore_mem>>
      tpu.enqueue_indirect_dma source(%dma_start3A_296 : memref<1000000x32xf32, #tpu.memory_space<hbm>>) target(%dma_start3A_290 : memref<128x32xf32, #tpu.memory_space<vmem>>) offsets(%dma_start3A_293 : memref<128xi32, #tpu.memory_space<vmem>>) semaphore(%dma_start3A_298 : memref<!tpu.dma_semaphore, #tpu.memory_space<semaphore_mem>>)
      %gt3A_299 = arith.constant 0 : i32
      %gt3A_300 = arith.cmpi sgt, %scan3A_153, %gt3A_299 : i32
      %convert_element_type3A_301 = arith.extui %gt3A_300 : i1 to i32
      %cond3A_302 = arith.constant 0 : i32
      %cond3A_303 = arith.cmpi ne, %convert_element_type3A_301, %cond3A_302 : i32
      scf.if %cond3A_303 {
        %dma_wait3A_600 = arith.constant 7 : i32
        %dma_wait3A_601 = arith.constant 7 : i32
        %dma_wait3A_602 = arith.constant 0 : i32
        %dma_wait3A_603 = arith.constant 0 : i32
        %dma_wait3A_604 = tpu.memref_slice %arg6[%dma_wait3A_600, %dma_wait3A_602, %dma_wait3A_603] : memref<8x128x32xf32, #tpu.memory_space<vmem>> -> memref<1x128x32xf32, #tpu.memory_space<vmem>>
        %dma_wait3A_605 = tpu.memref_squeeze %dma_wait3A_604 : memref<1x128x32xf32, #tpu.memory_space<vmem>> -> memref<128x32xf32, #tpu.memory_space<vmem>>
        %dma_wait3A_606 = arith.constant 0 : i32
        %dma_wait3A_607 = arith.constant 0 : i32
        %dma_wait3A_608 = tpu.memref_slice %arg4[%dma_wait3A_606, %dma_wait3A_607] : memref<819200x32xf32, #tpu.memory_space<hbm>> -> memref<128x32xf32, #tpu.memory_space<hbm>>
        %dma_wait3A_609 = tpu.memref_slice %arg8[%dma_wait3A_601] : memref<8x!tpu.dma_semaphore, #tpu.memory_space<semaphore_mem>> -> memref<1x!tpu.dma_semaphore, #tpu.memory_space<semaphore_mem>>
        %dma_wait3A_610 = tpu.memref_squeeze %dma_wait3A_609 : memref<1x!tpu.dma_semaphore, #tpu.memory_space<semaphore_mem>> -> memref<!tpu.dma_semaphore, #tpu.memory_space<semaphore_mem>>
        %dma_wait3A_611 = arith.constant 0 : i32
        %dma_wait3A_612 = arith.constant 0 : i32
        %dma_wait3A_613 = tpu.memref_slice %arg4[%dma_wait3A_611, %dma_wait3A_612] : memref<819200x32xf32, #tpu.memory_space<hbm>> -> memref<128x32xf32, #tpu.memory_space<hbm>>
        %dma_wait3A_614 = arith.constant 0 : i32
        %dma_wait3A_615 = arith.constant 0 : i32
        %dma_wait3A_616 = tpu.memref_slice %arg6[%dma_wait3A_600, %dma_wait3A_614, %dma_wait3A_615] : memref<8x128x32xf32, #tpu.memory_space<vmem>> -> memref<1x128x32xf32, #tpu.memory_space<vmem>>
        %dma_wait3A_617 = tpu.memref_squeeze %dma_wait3A_616 : memref<1x128x32xf32, #tpu.memory_space<vmem>> -> memref<128x32xf32, #tpu.memory_space<vmem>>
        tpu.wait_dma2 semaphore(%dma_wait3A_610 : memref<!tpu.dma_semaphore, #tpu.memory_space<semaphore_mem>>) src(%dma_wait3A_617 : memref<128x32xf32, #tpu.memory_space<vmem>>) dst(%dma_wait3A_613 : memref<128x32xf32, #tpu.memory_space<hbm>>)
      } else {
      }
      %add3A_304 = arith.constant 7 : i32
      %add3A_305 = arith.addi %mul3A_155, %add3A_304 : i32
      %dma_start3A_306 = arith.constant 7 : i32
      %dma_start3A_307 = arith.constant 7 : i32
      %dma_start3A_308 = arith.constant 0 : i32
      %dma_start3A_309 = arith.constant 0 : i32
      %dma_start3A_310 = tpu.memref_slice %arg6[%dma_start3A_306, %dma_start3A_308, %dma_start3A_309] : memref<8x128x32xf32, #tpu.memory_space<vmem>> -> memref<1x128x32xf32, #tpu.memory_space<vmem>>
      %dma_start3A_311 = tpu.memref_squeeze %dma_start3A_310 : memref<1x128x32xf32, #tpu.memory_space<vmem>> -> memref<128x32xf32, #tpu.memory_space<vmem>>
      %dma_start3A_312 = arith.constant 0 : i32
      %dma_start3A_313 = tpu.memref_slice %arg5[%add3A_305, %dma_start3A_312] : memref<200x128xi32, #tpu.memory_space<vmem>> -> memref<1x128xi32, #tpu.memory_space<vmem>>
      %dma_start3A_314 = tpu.memref_squeeze %dma_start3A_313 : memref<1x128xi32, #tpu.memory_space<vmem>> -> memref<128xi32, #tpu.memory_space<vmem>>
      %dma_start3A_315 = arith.constant 0 : i32
      %dma_start3A_316 = arith.constant 0 : i32
      %dma_start3A_317 = tpu.memref_slice %arg3[%dma_start3A_315, %dma_start3A_316] : memref<1000000x32xf32, #tpu.memory_space<hbm>> -> memref<1000000x32xf32, #tpu.memory_space<hbm>>
      %dma_start3A_318 = tpu.memref_slice %arg7[%dma_start3A_307] : memref<8x!tpu.dma_semaphore, #tpu.memory_space<semaphore_mem>> -> memref<1x!tpu.dma_semaphore, #tpu.memory_space<semaphore_mem>>
      %dma_start3A_319 = tpu.memref_squeeze %dma_start3A_318 : memref<1x!tpu.dma_semaphore, #tpu.memory_space<semaphore_mem>> -> memref<!tpu.dma_semaphore, #tpu.memory_space<semaphore_mem>>
      tpu.enqueue_indirect_dma source(%dma_start3A_317 : memref<1000000x32xf32, #tpu.memory_space<hbm>>) target(%dma_start3A_311 : memref<128x32xf32, #tpu.memory_space<vmem>>) offsets(%dma_start3A_314 : memref<128xi32, #tpu.memory_space<vmem>>) semaphore(%dma_start3A_319 : memref<!tpu.dma_semaphore, #tpu.memory_space<semaphore_mem>>)
      %dma_wait3A_320 = arith.constant 0 : i32
      %dma_wait3A_321 = arith.constant 0 : i32
      %dma_wait3A_322 = arith.constant 0 : i32
      %dma_wait3A_323 = arith.constant 0 : i32
      %dma_wait3A_324 = tpu.memref_slice %arg6[%dma_wait3A_320, %dma_wait3A_322, %dma_wait3A_323] : memref<8x128x32xf32, #tpu.memory_space<vmem>> -> memref<1x128x32xf32, #tpu.memory_space<vmem>>
      %dma_wait3A_325 = tpu.memref_squeeze %dma_wait3A_324 : memref<1x128x32xf32, #tpu.memory_space<vmem>> -> memref<128x32xf32, #tpu.memory_space<vmem>>
      %dma_wait3A_326 = arith.constant 0 : i32
      %dma_wait3A_327 = tpu.memref_slice %arg5[%add3A_159, %dma_wait3A_326] : memref<200x128xi32, #tpu.memory_space<vmem>> -> memref<1x128xi32, #tpu.memory_space<vmem>>
      %dma_wait3A_328 = tpu.memref_squeeze %dma_wait3A_327 : memref<1x128xi32, #tpu.memory_space<vmem>> -> memref<128xi32, #tpu.memory_space<vmem>>
      %dma_wait3A_329 = arith.constant 0 : i32
      %dma_wait3A_330 = arith.constant 0 : i32
      %dma_wait3A_331 = tpu.memref_slice %arg3[%dma_wait3A_329, %dma_wait3A_330] : memref<1000000x32xf32, #tpu.memory_space<hbm>> -> memref<1000000x32xf32, #tpu.memory_space<hbm>>
      %dma_wait3A_332 = tpu.memref_slice %arg7[%dma_wait3A_321] : memref<8x!tpu.dma_semaphore, #tpu.memory_space<semaphore_mem>> -> memref<1x!tpu.dma_semaphore, #tpu.memory_space<semaphore_mem>>
      %dma_wait3A_333 = tpu.memref_squeeze %dma_wait3A_332 : memref<1x!tpu.dma_semaphore, #tpu.memory_space<semaphore_mem>> -> memref<!tpu.dma_semaphore, #tpu.memory_space<semaphore_mem>>
      tpu.wait_indirect_dma semaphore(%dma_wait3A_333 : memref<!tpu.dma_semaphore, #tpu.memory_space<semaphore_mem>>) src(%dma_wait3A_331 : memref<1000000x32xf32, #tpu.memory_space<hbm>>) dst(%dma_wait3A_325 : memref<128x32xf32, #tpu.memory_space<vmem>>)
      %add3A_334 = arith.constant 0 : i32
      %add3A_335 = arith.addi %mul3A_155, %add3A_334 : i32
      %mul3A_336 = arith.constant 128 : i32
      %mul3A_337 = arith.muli %add3A_335, %mul3A_336 : i32
      %add3A_338 = arith.addi %mul3A_2, %mul3A_337 : i32
      %dma_start3A_339 = arith.constant 0 : i32
      %dma_start3A_340 = arith.constant 0 : i32
      %dma_start3A_341 = arith.constant 0 : i32
      %dma_start3A_342 = arith.constant 0 : i32
      %dma_start3A_343 = tpu.memref_slice %arg6[%dma_start3A_339, %dma_start3A_341, %dma_start3A_342] : memref<8x128x32xf32, #tpu.memory_space<vmem>> -> memref<1x128x32xf32, #tpu.memory_space<vmem>>
      %dma_start3A_344 = tpu.memref_squeeze %dma_start3A_343 : memref<1x128x32xf32, #tpu.memory_space<vmem>> -> memref<128x32xf32, #tpu.memory_space<vmem>>
      %dma_start3A_345 = arith.constant 0 : i32
      %dma_start3A_346 = tpu.memref_slice %arg4[%add3A_338, %dma_start3A_345] : memref<819200x32xf32, #tpu.memory_space<hbm>> -> memref<128x32xf32, #tpu.memory_space<hbm>>
      %dma_start3A_347 = tpu.memref_slice %arg8[%dma_start3A_340] : memref<8x!tpu.dma_semaphore, #tpu.memory_space<semaphore_mem>> -> memref<1x!tpu.dma_semaphore, #tpu.memory_space<semaphore_mem>>
      %dma_start3A_348 = tpu.memref_squeeze %dma_start3A_347 : memref<1x!tpu.dma_semaphore, #tpu.memory_space<semaphore_mem>> -> memref<!tpu.dma_semaphore, #tpu.memory_space<semaphore_mem>>
      %dma_start3A_349 = arith.constant 0 : i32
      %dma_start3A_350 = tpu.memref_slice %arg4[%add3A_338, %dma_start3A_349] : memref<819200x32xf32, #tpu.memory_space<hbm>> -> memref<128x32xf32, #tpu.memory_space<hbm>>
      %dma_start3A_351 = arith.constant 0 : i32
      %dma_start3A_352 = arith.constant 0 : i32
      %dma_start3A_353 = tpu.memref_slice %arg6[%dma_start3A_339, %dma_start3A_351, %dma_start3A_352] : memref<8x128x32xf32, #tpu.memory_space<vmem>> -> memref<1x128x32xf32, #tpu.memory_space<vmem>>
      %dma_start3A_354 = tpu.memref_squeeze %dma_start3A_353 : memref<1x128x32xf32, #tpu.memory_space<vmem>> -> memref<128x32xf32, #tpu.memory_space<vmem>>
      tpu.enqueue_dma source(%dma_start3A_354 : memref<128x32xf32, #tpu.memory_space<vmem>>) target(%dma_start3A_350 : memref<128x32xf32, #tpu.memory_space<hbm>>) target_semaphore(%dma_start3A_348 : memref<!tpu.dma_semaphore, #tpu.memory_space<semaphore_mem>>)
      %dma_wait3A_355 = arith.constant 1 : i32
      %dma_wait3A_356 = arith.constant 1 : i32
      %dma_wait3A_357 = arith.constant 0 : i32
      %dma_wait3A_358 = arith.constant 0 : i32
      %dma_wait3A_359 = tpu.memref_slice %arg6[%dma_wait3A_355, %dma_wait3A_357, %dma_wait3A_358] : memref<8x128x32xf32, #tpu.memory_space<vmem>> -> memref<1x128x32xf32, #tpu.memory_space<vmem>>
      %dma_wait3A_360 = tpu.memref_squeeze %dma_wait3A_359 : memref<1x128x32xf32, #tpu.memory_space<vmem>> -> memref<128x32xf32, #tpu.memory_space<vmem>>
      %dma_wait3A_361 = arith.constant 0 : i32
      %dma_wait3A_362 = tpu.memref_slice %arg5[%add3A_179, %dma_wait3A_361] : memref<200x128xi32, #tpu.memory_space<vmem>> -> memref<1x128xi32, #tpu.memory_space<vmem>>
      %dma_wait3A_363 = tpu.memref_squeeze %dma_wait3A_362 : memref<1x128xi32, #tpu.memory_space<vmem>> -> memref<128xi32, #tpu.memory_space<vmem>>
      %dma_wait3A_364 = arith.constant 0 : i32
      %dma_wait3A_365 = arith.constant 0 : i32
      %dma_wait3A_366 = tpu.memref_slice %arg3[%dma_wait3A_364, %dma_wait3A_365] : memref<1000000x32xf32, #tpu.memory_space<hbm>> -> memref<1000000x32xf32, #tpu.memory_space<hbm>>
      %dma_wait3A_367 = tpu.memref_slice %arg7[%dma_wait3A_356] : memref<8x!tpu.dma_semaphore, #tpu.memory_space<semaphore_mem>> -> memref<1x!tpu.dma_semaphore, #tpu.memory_space<semaphore_mem>>
      %dma_wait3A_368 = tpu.memref_squeeze %dma_wait3A_367 : memref<1x!tpu.dma_semaphore, #tpu.memory_space<semaphore_mem>> -> memref<!tpu.dma_semaphore, #tpu.memory_space<semaphore_mem>>
      tpu.wait_indirect_dma semaphore(%dma_wait3A_368 : memref<!tpu.dma_semaphore, #tpu.memory_space<semaphore_mem>>) src(%dma_wait3A_366 : memref<1000000x32xf32, #tpu.memory_space<hbm>>) dst(%dma_wait3A_360 : memref<128x32xf32, #tpu.memory_space<vmem>>)
      %add3A_369 = arith.constant 1 : i32
      %add3A_370 = arith.addi %mul3A_155, %add3A_369 : i32
      %mul3A_371 = arith.constant 128 : i32
      %mul3A_372 = arith.muli %add3A_370, %mul3A_371 : i32
      %add3A_373 = arith.addi %mul3A_2, %mul3A_372 : i32
      %dma_start3A_374 = arith.constant 1 : i32
      %dma_start3A_375 = arith.constant 1 : i32
      %dma_start3A_376 = arith.constant 0 : i32
      %dma_start3A_377 = arith.constant 0 : i32
      %dma_start3A_378 = tpu.memref_slice %arg6[%dma_start3A_374, %dma_start3A_376, %dma_start3A_377] : memref<8x128x32xf32, #tpu.memory_space<vmem>> -> memref<1x128x32xf32, #tpu.memory_space<vmem>>
      %dma_start3A_379 = tpu.memref_squeeze %dma_start3A_378 : memref<1x128x32xf32, #tpu.memory_space<vmem>> -> memref<128x32xf32, #tpu.memory_space<vmem>>
      %dma_start3A_380 = arith.constant 0 : i32
      %dma_start3A_381 = tpu.memref_slice %arg4[%add3A_373, %dma_start3A_380] : memref<819200x32xf32, #tpu.memory_space<hbm>> -> memref<128x32xf32, #tpu.memory_space<hbm>>
      %dma_start3A_382 = tpu.memref_slice %arg8[%dma_start3A_375] : memref<8x!tpu.dma_semaphore, #tpu.memory_space<semaphore_mem>> -> memref<1x!tpu.dma_semaphore, #tpu.memory_space<semaphore_mem>>
      %dma_start3A_383 = tpu.memref_squeeze %dma_start3A_382 : memref<1x!tpu.dma_semaphore, #tpu.memory_space<semaphore_mem>> -> memref<!tpu.dma_semaphore, #tpu.memory_space<semaphore_mem>>
      %dma_start3A_384 = arith.constant 0 : i32
      %dma_start3A_385 = tpu.memref_slice %arg4[%add3A_373, %dma_start3A_384] : memref<819200x32xf32, #tpu.memory_space<hbm>> -> memref<128x32xf32, #tpu.memory_space<hbm>>
      %dma_start3A_386 = arith.constant 0 : i32
      %dma_start3A_387 = arith.constant 0 : i32
      %dma_start3A_388 = tpu.memref_slice %arg6[%dma_start3A_374, %dma_start3A_386, %dma_start3A_387] : memref<8x128x32xf32, #tpu.memory_space<vmem>> -> memref<1x128x32xf32, #tpu.memory_space<vmem>>
      %dma_start3A_389 = tpu.memref_squeeze %dma_start3A_388 : memref<1x128x32xf32, #tpu.memory_space<vmem>> -> memref<128x32xf32, #tpu.memory_space<vmem>>
      tpu.enqueue_dma source(%dma_start3A_389 : memref<128x32xf32, #tpu.memory_space<vmem>>) target(%dma_start3A_385 : memref<128x32xf32, #tpu.memory_space<hbm>>) target_semaphore(%dma_start3A_383 : memref<!tpu.dma_semaphore, #tpu.memory_space<semaphore_mem>>)
      %dma_wait3A_390 = arith.constant 2 : i32
      %dma_wait3A_391 = arith.constant 2 : i32
      %dma_wait3A_392 = arith.constant 0 : i32
      %dma_wait3A_393 = arith.constant 0 : i32
      %dma_wait3A_394 = tpu.memref_slice %arg6[%dma_wait3A_390, %dma_wait3A_392, %dma_wait3A_393] : memref<8x128x32xf32, #tpu.memory_space<vmem>> -> memref<1x128x32xf32, #tpu.memory_space<vmem>>
      %dma_wait3A_395 = tpu.memref_squeeze %dma_wait3A_394 : memref<1x128x32xf32, #tpu.memory_space<vmem>> -> memref<128x32xf32, #tpu.memory_space<vmem>>
      %dma_wait3A_396 = arith.constant 0 : i32
      %dma_wait3A_397 = tpu.memref_slice %arg5[%add3A_200, %dma_wait3A_396] : memref<200x128xi32, #tpu.memory_space<vmem>> -> memref<1x128xi32, #tpu.memory_space<vmem>>
      %dma_wait3A_398 = tpu.memref_squeeze %dma_wait3A_397 : memref<1x128xi32, #tpu.memory_space<vmem>> -> memref<128xi32, #tpu.memory_space<vmem>>
      %dma_wait3A_399 = arith.constant 0 : i32
      %dma_wait3A_400 = arith.constant 0 : i32
      %dma_wait3A_401 = tpu.memref_slice %arg3[%dma_wait3A_399, %dma_wait3A_400] : memref<1000000x32xf32, #tpu.memory_space<hbm>> -> memref<1000000x32xf32, #tpu.memory_space<hbm>>
      %dma_wait3A_402 = tpu.memref_slice %arg7[%dma_wait3A_391] : memref<8x!tpu.dma_semaphore, #tpu.memory_space<semaphore_mem>> -> memref<1x!tpu.dma_semaphore, #tpu.memory_space<semaphore_mem>>
      %dma_wait3A_403 = tpu.memref_squeeze %dma_wait3A_402 : memref<1x!tpu.dma_semaphore, #tpu.memory_space<semaphore_mem>> -> memref<!tpu.dma_semaphore, #tpu.memory_space<semaphore_mem>>
      tpu.wait_indirect_dma semaphore(%dma_wait3A_403 : memref<!tpu.dma_semaphore, #tpu.memory_space<semaphore_mem>>) src(%dma_wait3A_401 : memref<1000000x32xf32, #tpu.memory_space<hbm>>) dst(%dma_wait3A_395 : memref<128x32xf32, #tpu.memory_space<vmem>>)
      %add3A_404 = arith.constant 2 : i32
      %add3A_405 = arith.addi %mul3A_155, %add3A_404 : i32
      %mul3A_406 = arith.constant 128 : i32
      %mul3A_407 = arith.muli %add3A_405, %mul3A_406 : i32
      %add3A_408 = arith.addi %mul3A_2, %mul3A_407 : i32
      %dma_start3A_409 = arith.constant 2 : i32
      %dma_start3A_410 = arith.constant 2 : i32
      %dma_start3A_411 = arith.constant 0 : i32
      %dma_start3A_412 = arith.constant 0 : i32
      %dma_start3A_413 = tpu.memref_slice %arg6[%dma_start3A_409, %dma_start3A_411, %dma_start3A_412] : memref<8x128x32xf32, #tpu.memory_space<vmem>> -> memref<1x128x32xf32, #tpu.memory_space<vmem>>
      %dma_start3A_414 = tpu.memref_squeeze %dma_start3A_413 : memref<1x128x32xf32, #tpu.memory_space<vmem>> -> memref<128x32xf32, #tpu.memory_space<vmem>>
      %dma_start3A_415 = arith.constant 0 : i32
      %dma_start3A_416 = tpu.memref_slice %arg4[%add3A_408, %dma_start3A_415] : memref<819200x32xf32, #tpu.memory_space<hbm>> -> memref<128x32xf32, #tpu.memory_space<hbm>>
      %dma_start3A_417 = tpu.memref_slice %arg8[%dma_start3A_410] : memref<8x!tpu.dma_semaphore, #tpu.memory_space<semaphore_mem>> -> memref<1x!tpu.dma_semaphore, #tpu.memory_space<semaphore_mem>>
      %dma_start3A_418 = tpu.memref_squeeze %dma_start3A_417 : memref<1x!tpu.dma_semaphore, #tpu.memory_space<semaphore_mem>> -> memref<!tpu.dma_semaphore, #tpu.memory_space<semaphore_mem>>
      %dma_start3A_419 = arith.constant 0 : i32
      %dma_start3A_420 = tpu.memref_slice %arg4[%add3A_408, %dma_start3A_419] : memref<819200x32xf32, #tpu.memory_space<hbm>> -> memref<128x32xf32, #tpu.memory_space<hbm>>
      %dma_start3A_421 = arith.constant 0 : i32
      %dma_start3A_422 = arith.constant 0 : i32
      %dma_start3A_423 = tpu.memref_slice %arg6[%dma_start3A_409, %dma_start3A_421, %dma_start3A_422] : memref<8x128x32xf32, #tpu.memory_space<vmem>> -> memref<1x128x32xf32, #tpu.memory_space<vmem>>
      %dma_start3A_424 = tpu.memref_squeeze %dma_start3A_423 : memref<1x128x32xf32, #tpu.memory_space<vmem>> -> memref<128x32xf32, #tpu.memory_space<vmem>>
      tpu.enqueue_dma source(%dma_start3A_424 : memref<128x32xf32, #tpu.memory_space<vmem>>) target(%dma_start3A_420 : memref<128x32xf32, #tpu.memory_space<hbm>>) target_semaphore(%dma_start3A_418 : memref<!tpu.dma_semaphore, #tpu.memory_space<semaphore_mem>>)
      %dma_wait3A_425 = arith.constant 3 : i32
      %dma_wait3A_426 = arith.constant 3 : i32
      %dma_wait3A_427 = arith.constant 0 : i32
      %dma_wait3A_428 = arith.constant 0 : i32
      %dma_wait3A_429 = tpu.memref_slice %arg6[%dma_wait3A_425, %dma_wait3A_427, %dma_wait3A_428] : memref<8x128x32xf32, #tpu.memory_space<vmem>> -> memref<1x128x32xf32, #tpu.memory_space<vmem>>
      %dma_wait3A_430 = tpu.memref_squeeze %dma_wait3A_429 : memref<1x128x32xf32, #tpu.memory_space<vmem>> -> memref<128x32xf32, #tpu.memory_space<vmem>>
      %dma_wait3A_431 = arith.constant 0 : i32
      %dma_wait3A_432 = tpu.memref_slice %arg5[%add3A_221, %dma_wait3A_431] : memref<200x128xi32, #tpu.memory_space<vmem>> -> memref<1x128xi32, #tpu.memory_space<vmem>>
      %dma_wait3A_433 = tpu.memref_squeeze %dma_wait3A_432 : memref<1x128xi32, #tpu.memory_space<vmem>> -> memref<128xi32, #tpu.memory_space<vmem>>
      %dma_wait3A_434 = arith.constant 0 : i32
      %dma_wait3A_435 = arith.constant 0 : i32
      %dma_wait3A_436 = tpu.memref_slice %arg3[%dma_wait3A_434, %dma_wait3A_435] : memref<1000000x32xf32, #tpu.memory_space<hbm>> -> memref<1000000x32xf32, #tpu.memory_space<hbm>>
      %dma_wait3A_437 = tpu.memref_slice %arg7[%dma_wait3A_426] : memref<8x!tpu.dma_semaphore, #tpu.memory_space<semaphore_mem>> -> memref<1x!tpu.dma_semaphore, #tpu.memory_space<semaphore_mem>>
      %dma_wait3A_438 = tpu.memref_squeeze %dma_wait3A_437 : memref<1x!tpu.dma_semaphore, #tpu.memory_space<semaphore_mem>> -> memref<!tpu.dma_semaphore, #tpu.memory_space<semaphore_mem>>
      tpu.wait_indirect_dma semaphore(%dma_wait3A_438 : memref<!tpu.dma_semaphore, #tpu.memory_space<semaphore_mem>>) src(%dma_wait3A_436 : memref<1000000x32xf32, #tpu.memory_space<hbm>>) dst(%dma_wait3A_430 : memref<128x32xf32, #tpu.memory_space<vmem>>)
      %add3A_439 = arith.constant 3 : i32
      %add3A_440 = arith.addi %mul3A_155, %add3A_439 : i32
      %mul3A_441 = arith.constant 128 : i32
      %mul3A_442 = arith.muli %add3A_440, %mul3A_441 : i32
      %add3A_443 = arith.addi %mul3A_2, %mul3A_442 : i32
      %dma_start3A_444 = arith.constant 3 : i32
      %dma_start3A_445 = arith.constant 3 : i32
      %dma_start3A_446 = arith.constant 0 : i32
      %dma_start3A_447 = arith.constant 0 : i32
      %dma_start3A_448 = tpu.memref_slice %arg6[%dma_start3A_444, %dma_start3A_446, %dma_start3A_447] : memref<8x128x32xf32, #tpu.memory_space<vmem>> -> memref<1x128x32xf32, #tpu.memory_space<vmem>>
      %dma_start3A_449 = tpu.memref_squeeze %dma_start3A_448 : memref<1x128x32xf32, #tpu.memory_space<vmem>> -> memref<128x32xf32, #tpu.memory_space<vmem>>
      %dma_start3A_450 = arith.constant 0 : i32
      %dma_start3A_451 = tpu.memref_slice %arg4[%add3A_443, %dma_start3A_450] : memref<819200x32xf32, #tpu.memory_space<hbm>> -> memref<128x32xf32, #tpu.memory_space<hbm>>
      %dma_start3A_452 = tpu.memref_slice %arg8[%dma_start3A_445] : memref<8x!tpu.dma_semaphore, #tpu.memory_space<semaphore_mem>> -> memref<1x!tpu.dma_semaphore, #tpu.memory_space<semaphore_mem>>
      %dma_start3A_453 = tpu.memref_squeeze %dma_start3A_452 : memref<1x!tpu.dma_semaphore, #tpu.memory_space<semaphore_mem>> -> memref<!tpu.dma_semaphore, #tpu.memory_space<semaphore_mem>>
      %dma_start3A_454 = arith.constant 0 : i32
      %dma_start3A_455 = tpu.memref_slice %arg4[%add3A_443, %dma_start3A_454] : memref<819200x32xf32, #tpu.memory_space<hbm>> -> memref<128x32xf32, #tpu.memory_space<hbm>>
      %dma_start3A_456 = arith.constant 0 : i32
      %dma_start3A_457 = arith.constant 0 : i32
      %dma_start3A_458 = tpu.memref_slice %arg6[%dma_start3A_444, %dma_start3A_456, %dma_start3A_457] : memref<8x128x32xf32, #tpu.memory_space<vmem>> -> memref<1x128x32xf32, #tpu.memory_space<vmem>>
      %dma_start3A_459 = tpu.memref_squeeze %dma_start3A_458 : memref<1x128x32xf32, #tpu.memory_space<vmem>> -> memref<128x32xf32, #tpu.memory_space<vmem>>
      tpu.enqueue_dma source(%dma_start3A_459 : memref<128x32xf32, #tpu.memory_space<vmem>>) target(%dma_start3A_455 : memref<128x32xf32, #tpu.memory_space<hbm>>) target_semaphore(%dma_start3A_453 : memref<!tpu.dma_semaphore, #tpu.memory_space<semaphore_mem>>)
      %dma_wait3A_460 = arith.constant 4 : i32
      %dma_wait3A_461 = arith.constant 4 : i32
      %dma_wait3A_462 = arith.constant 0 : i32
      %dma_wait3A_463 = arith.constant 0 : i32
      %dma_wait3A_464 = tpu.memref_slice %arg6[%dma_wait3A_460, %dma_wait3A_462, %dma_wait3A_463] : memref<8x128x32xf32, #tpu.memory_space<vmem>> -> memref<1x128x32xf32, #tpu.memory_space<vmem>>
      %dma_wait3A_465 = tpu.memref_squeeze %dma_wait3A_464 : memref<1x128x32xf32, #tpu.memory_space<vmem>> -> memref<128x32xf32, #tpu.memory_space<vmem>>
      %dma_wait3A_466 = arith.constant 0 : i32
      %dma_wait3A_467 = tpu.memref_slice %arg5[%add3A_242, %dma_wait3A_466] : memref<200x128xi32, #tpu.memory_space<vmem>> -> memref<1x128xi32, #tpu.memory_space<vmem>>
      %dma_wait3A_468 = tpu.memref_squeeze %dma_wait3A_467 : memref<1x128xi32, #tpu.memory_space<vmem>> -> memref<128xi32, #tpu.memory_space<vmem>>
      %dma_wait3A_469 = arith.constant 0 : i32
      %dma_wait3A_470 = arith.constant 0 : i32
      %dma_wait3A_471 = tpu.memref_slice %arg3[%dma_wait3A_469, %dma_wait3A_470] : memref<1000000x32xf32, #tpu.memory_space<hbm>> -> memref<1000000x32xf32, #tpu.memory_space<hbm>>
      %dma_wait3A_472 = tpu.memref_slice %arg7[%dma_wait3A_461] : memref<8x!tpu.dma_semaphore, #tpu.memory_space<semaphore_mem>> -> memref<1x!tpu.dma_semaphore, #tpu.memory_space<semaphore_mem>>
      %dma_wait3A_473 = tpu.memref_squeeze %dma_wait3A_472 : memref<1x!tpu.dma_semaphore, #tpu.memory_space<semaphore_mem>> -> memref<!tpu.dma_semaphore, #tpu.memory_space<semaphore_mem>>
      tpu.wait_indirect_dma semaphore(%dma_wait3A_473 : memref<!tpu.dma_semaphore, #tpu.memory_space<semaphore_mem>>) src(%dma_wait3A_471 : memref<1000000x32xf32, #tpu.memory_space<hbm>>) dst(%dma_wait3A_465 : memref<128x32xf32, #tpu.memory_space<vmem>>)
      %add3A_474 = arith.constant 4 : i32
      %add3A_475 = arith.addi %mul3A_155, %add3A_474 : i32
      %mul3A_476 = arith.constant 128 : i32
      %mul3A_477 = arith.muli %add3A_475, %mul3A_476 : i32
      %add3A_478 = arith.addi %mul3A_2, %mul3A_477 : i32
      %dma_start3A_479 = arith.constant 4 : i32
      %dma_start3A_480 = arith.constant 4 : i32
      %dma_start3A_481 = arith.constant 0 : i32
      %dma_start3A_482 = arith.constant 0 : i32
      %dma_start3A_483 = tpu.memref_slice %arg6[%dma_start3A_479, %dma_start3A_481, %dma_start3A_482] : memref<8x128x32xf32, #tpu.memory_space<vmem>> -> memref<1x128x32xf32, #tpu.memory_space<vmem>>
      %dma_start3A_484 = tpu.memref_squeeze %dma_start3A_483 : memref<1x128x32xf32, #tpu.memory_space<vmem>> -> memref<128x32xf32, #tpu.memory_space<vmem>>
      %dma_start3A_485 = arith.constant 0 : i32
      %dma_start3A_486 = tpu.memref_slice %arg4[%add3A_478, %dma_start3A_485] : memref<819200x32xf32, #tpu.memory_space<hbm>> -> memref<128x32xf32, #tpu.memory_space<hbm>>
      %dma_start3A_487 = tpu.memref_slice %arg8[%dma_start3A_480] : memref<8x!tpu.dma_semaphore, #tpu.memory_space<semaphore_mem>> -> memref<1x!tpu.dma_semaphore, #tpu.memory_space<semaphore_mem>>
      %dma_start3A_488 = tpu.memref_squeeze %dma_start3A_487 : memref<1x!tpu.dma_semaphore, #tpu.memory_space<semaphore_mem>> -> memref<!tpu.dma_semaphore, #tpu.memory_space<semaphore_mem>>
      %dma_start3A_489 = arith.constant 0 : i32
      %dma_start3A_490 = tpu.memref_slice %arg4[%add3A_478, %dma_start3A_489] : memref<819200x32xf32, #tpu.memory_space<hbm>> -> memref<128x32xf32, #tpu.memory_space<hbm>>
      %dma_start3A_491 = arith.constant 0 : i32
      %dma_start3A_492 = arith.constant 0 : i32
      %dma_start3A_493 = tpu.memref_slice %arg6[%dma_start3A_479, %dma_start3A_491, %dma_start3A_492] : memref<8x128x32xf32, #tpu.memory_space<vmem>> -> memref<1x128x32xf32, #tpu.memory_space<vmem>>
      %dma_start3A_494 = tpu.memref_squeeze %dma_start3A_493 : memref<1x128x32xf32, #tpu.memory_space<vmem>> -> memref<128x32xf32, #tpu.memory_space<vmem>>
      tpu.enqueue_dma source(%dma_start3A_494 : memref<128x32xf32, #tpu.memory_space<vmem>>) target(%dma_start3A_490 : memref<128x32xf32, #tpu.memory_space<hbm>>) target_semaphore(%dma_start3A_488 : memref<!tpu.dma_semaphore, #tpu.memory_space<semaphore_mem>>)
      %dma_wait3A_495 = arith.constant 5 : i32
      %dma_wait3A_496 = arith.constant 5 : i32
      %dma_wait3A_497 = arith.constant 0 : i32
      %dma_wait3A_498 = arith.constant 0 : i32
      %dma_wait3A_499 = tpu.memref_slice %arg6[%dma_wait3A_495, %dma_wait3A_497, %dma_wait3A_498] : memref<8x128x32xf32, #tpu.memory_space<vmem>> -> memref<1x128x32xf32, #tpu.memory_space<vmem>>
      %dma_wait3A_500 = tpu.memref_squeeze %dma_wait3A_499 : memref<1x128x32xf32, #tpu.memory_space<vmem>> -> memref<128x32xf32, #tpu.memory_space<vmem>>
      %dma_wait3A_501 = arith.constant 0 : i32
      %dma_wait3A_502 = tpu.memref_slice %arg5[%add3A_263, %dma_wait3A_501] : memref<200x128xi32, #tpu.memory_space<vmem>> -> memref<1x128xi32, #tpu.memory_space<vmem>>
      %dma_wait3A_503 = tpu.memref_squeeze %dma_wait3A_502 : memref<1x128xi32, #tpu.memory_space<vmem>> -> memref<128xi32, #tpu.memory_space<vmem>>
      %dma_wait3A_504 = arith.constant 0 : i32
      %dma_wait3A_505 = arith.constant 0 : i32
      %dma_wait3A_506 = tpu.memref_slice %arg3[%dma_wait3A_504, %dma_wait3A_505] : memref<1000000x32xf32, #tpu.memory_space<hbm>> -> memref<1000000x32xf32, #tpu.memory_space<hbm>>
      %dma_wait3A_507 = tpu.memref_slice %arg7[%dma_wait3A_496] : memref<8x!tpu.dma_semaphore, #tpu.memory_space<semaphore_mem>> -> memref<1x!tpu.dma_semaphore, #tpu.memory_space<semaphore_mem>>
      %dma_wait3A_508 = tpu.memref_squeeze %dma_wait3A_507 : memref<1x!tpu.dma_semaphore, #tpu.memory_space<semaphore_mem>> -> memref<!tpu.dma_semaphore, #tpu.memory_space<semaphore_mem>>
      tpu.wait_indirect_dma semaphore(%dma_wait3A_508 : memref<!tpu.dma_semaphore, #tpu.memory_space<semaphore_mem>>) src(%dma_wait3A_506 : memref<1000000x32xf32, #tpu.memory_space<hbm>>) dst(%dma_wait3A_500 : memref<128x32xf32, #tpu.memory_space<vmem>>)
      %add3A_509 = arith.constant 5 : i32
      %add3A_510 = arith.addi %mul3A_155, %add3A_509 : i32
      %mul3A_511 = arith.constant 128 : i32
      %mul3A_512 = arith.muli %add3A_510, %mul3A_511 : i32
      %add3A_513 = arith.addi %mul3A_2, %mul3A_512 : i32
      %dma_start3A_514 = arith.constant 5 : i32
      %dma_start3A_515 = arith.constant 5 : i32
      %dma_start3A_516 = arith.constant 0 : i32
      %dma_start3A_517 = arith.constant 0 : i32
      %dma_start3A_518 = tpu.memref_slice %arg6[%dma_start3A_514, %dma_start3A_516, %dma_start3A_517] : memref<8x128x32xf32, #tpu.memory_space<vmem>> -> memref<1x128x32xf32, #tpu.memory_space<vmem>>
      %dma_start3A_519 = tpu.memref_squeeze %dma_start3A_518 : memref<1x128x32xf32, #tpu.memory_space<vmem>> -> memref<128x32xf32, #tpu.memory_space<vmem>>
      %dma_start3A_520 = arith.constant 0 : i32
      %dma_start3A_521 = tpu.memref_slice %arg4[%add3A_513, %dma_start3A_520] : memref<819200x32xf32, #tpu.memory_space<hbm>> -> memref<128x32xf32, #tpu.memory_space<hbm>>
      %dma_start3A_522 = tpu.memref_slice %arg8[%dma_start3A_515] : memref<8x!tpu.dma_semaphore, #tpu.memory_space<semaphore_mem>> -> memref<1x!tpu.dma_semaphore, #tpu.memory_space<semaphore_mem>>
      %dma_start3A_523 = tpu.memref_squeeze %dma_start3A_522 : memref<1x!tpu.dma_semaphore, #tpu.memory_space<semaphore_mem>> -> memref<!tpu.dma_semaphore, #tpu.memory_space<semaphore_mem>>
      %dma_start3A_524 = arith.constant 0 : i32
      %dma_start3A_525 = tpu.memref_slice %arg4[%add3A_513, %dma_start3A_524] : memref<819200x32xf32, #tpu.memory_space<hbm>> -> memref<128x32xf32, #tpu.memory_space<hbm>>
      %dma_start3A_526 = arith.constant 0 : i32
      %dma_start3A_527 = arith.constant 0 : i32
      %dma_start3A_528 = tpu.memref_slice %arg6[%dma_start3A_514, %dma_start3A_526, %dma_start3A_527] : memref<8x128x32xf32, #tpu.memory_space<vmem>> -> memref<1x128x32xf32, #tpu.memory_space<vmem>>
      %dma_start3A_529 = tpu.memref_squeeze %dma_start3A_528 : memref<1x128x32xf32, #tpu.memory_space<vmem>> -> memref<128x32xf32, #tpu.memory_space<vmem>>
      tpu.enqueue_dma source(%dma_start3A_529 : memref<128x32xf32, #tpu.memory_space<vmem>>) target(%dma_start3A_525 : memref<128x32xf32, #tpu.memory_space<hbm>>) target_semaphore(%dma_start3A_523 : memref<!tpu.dma_semaphore, #tpu.memory_space<semaphore_mem>>)
      %dma_wait3A_530 = arith.constant 6 : i32
      %dma_wait3A_531 = arith.constant 6 : i32
      %dma_wait3A_532 = arith.constant 0 : i32
      %dma_wait3A_533 = arith.constant 0 : i32
      %dma_wait3A_534 = tpu.memref_slice %arg6[%dma_wait3A_530, %dma_wait3A_532, %dma_wait3A_533] : memref<8x128x32xf32, #tpu.memory_space<vmem>> -> memref<1x128x32xf32, #tpu.memory_space<vmem>>
      %dma_wait3A_535 = tpu.memref_squeeze %dma_wait3A_534 : memref<1x128x32xf32, #tpu.memory_space<vmem>> -> memref<128x32xf32, #tpu.memory_space<vmem>>
      %dma_wait3A_536 = arith.constant 0 : i32
      %dma_wait3A_537 = tpu.memref_slice %arg5[%add3A_284, %dma_wait3A_536] : memref<200x128xi32, #tpu.memory_space<vmem>> -> memref<1x128xi32, #tpu.memory_space<vmem>>
      %dma_wait3A_538 = tpu.memref_squeeze %dma_wait3A_537 : memref<1x128xi32, #tpu.memory_space<vmem>> -> memref<128xi32, #tpu.memory_space<vmem>>
      %dma_wait3A_539 = arith.constant 0 : i32
      %dma_wait3A_540 = arith.constant 0 : i32
      %dma_wait3A_541 = tpu.memref_slice %arg3[%dma_wait3A_539, %dma_wait3A_540] : memref<1000000x32xf32, #tpu.memory_space<hbm>> -> memref<1000000x32xf32, #tpu.memory_space<hbm>>
      %dma_wait3A_542 = tpu.memref_slice %arg7[%dma_wait3A_531] : memref<8x!tpu.dma_semaphore, #tpu.memory_space<semaphore_mem>> -> memref<1x!tpu.dma_semaphore, #tpu.memory_space<semaphore_mem>>
      %dma_wait3A_543 = tpu.memref_squeeze %dma_wait3A_542 : memref<1x!tpu.dma_semaphore, #tpu.memory_space<semaphore_mem>> -> memref<!tpu.dma_semaphore, #tpu.memory_space<semaphore_mem>>
      tpu.wait_indirect_dma semaphore(%dma_wait3A_543 : memref<!tpu.dma_semaphore, #tpu.memory_space<semaphore_mem>>) src(%dma_wait3A_541 : memref<1000000x32xf32, #tpu.memory_space<hbm>>) dst(%dma_wait3A_535 : memref<128x32xf32, #tpu.memory_space<vmem>>)
      %add3A_544 = arith.constant 6 : i32
      %add3A_545 = arith.addi %mul3A_155, %add3A_544 : i32
      %mul3A_546 = arith.constant 128 : i32
      %mul3A_547 = arith.muli %add3A_545, %mul3A_546 : i32
      %add3A_548 = arith.addi %mul3A_2, %mul3A_547 : i32
      %dma_start3A_549 = arith.constant 6 : i32
      %dma_start3A_550 = arith.constant 6 : i32
      %dma_start3A_551 = arith.constant 0 : i32
      %dma_start3A_552 = arith.constant 0 : i32
      %dma_start3A_553 = tpu.memref_slice %arg6[%dma_start3A_549, %dma_start3A_551, %dma_start3A_552] : memref<8x128x32xf32, #tpu.memory_space<vmem>> -> memref<1x128x32xf32, #tpu.memory_space<vmem>>
      %dma_start3A_554 = tpu.memref_squeeze %dma_start3A_553 : memref<1x128x32xf32, #tpu.memory_space<vmem>> -> memref<128x32xf32, #tpu.memory_space<vmem>>
      %dma_start3A_555 = arith.constant 0 : i32
      %dma_start3A_556 = tpu.memref_slice %arg4[%add3A_548, %dma_start3A_555] : memref<819200x32xf32, #tpu.memory_space<hbm>> -> memref<128x32xf32, #tpu.memory_space<hbm>>
      %dma_start3A_557 = tpu.memref_slice %arg8[%dma_start3A_550] : memref<8x!tpu.dma_semaphore, #tpu.memory_space<semaphore_mem>> -> memref<1x!tpu.dma_semaphore, #tpu.memory_space<semaphore_mem>>
      %dma_start3A_558 = tpu.memref_squeeze %dma_start3A_557 : memref<1x!tpu.dma_semaphore, #tpu.memory_space<semaphore_mem>> -> memref<!tpu.dma_semaphore, #tpu.memory_space<semaphore_mem>>
      %dma_start3A_559 = arith.constant 0 : i32
      %dma_start3A_560 = tpu.memref_slice %arg4[%add3A_548, %dma_start3A_559] : memref<819200x32xf32, #tpu.memory_space<hbm>> -> memref<128x32xf32, #tpu.memory_space<hbm>>
      %dma_start3A_561 = arith.constant 0 : i32
      %dma_start3A_562 = arith.constant 0 : i32
      %dma_start3A_563 = tpu.memref_slice %arg6[%dma_start3A_549, %dma_start3A_561, %dma_start3A_562] : memref<8x128x32xf32, #tpu.memory_space<vmem>> -> memref<1x128x32xf32, #tpu.memory_space<vmem>>
      %dma_start3A_564 = tpu.memref_squeeze %dma_start3A_563 : memref<1x128x32xf32, #tpu.memory_space<vmem>> -> memref<128x32xf32, #tpu.memory_space<vmem>>
      tpu.enqueue_dma source(%dma_start3A_564 : memref<128x32xf32, #tpu.memory_space<vmem>>) target(%dma_start3A_560 : memref<128x32xf32, #tpu.memory_space<hbm>>) target_semaphore(%dma_start3A_558 : memref<!tpu.dma_semaphore, #tpu.memory_space<semaphore_mem>>)
      %dma_wait3A_565 = arith.constant 7 : i32
      %dma_wait3A_566 = arith.constant 7 : i32
      %dma_wait3A_567 = arith.constant 0 : i32
      %dma_wait3A_568 = arith.constant 0 : i32
      %dma_wait3A_569 = tpu.memref_slice %arg6[%dma_wait3A_565, %dma_wait3A_567, %dma_wait3A_568] : memref<8x128x32xf32, #tpu.memory_space<vmem>> -> memref<1x128x32xf32, #tpu.memory_space<vmem>>
      %dma_wait3A_570 = tpu.memref_squeeze %dma_wait3A_569 : memref<1x128x32xf32, #tpu.memory_space<vmem>> -> memref<128x32xf32, #tpu.memory_space<vmem>>
      %dma_wait3A_571 = arith.constant 0 : i32
      %dma_wait3A_572 = tpu.memref_slice %arg5[%add3A_305, %dma_wait3A_571] : memref<200x128xi32, #tpu.memory_space<vmem>> -> memref<1x128xi32, #tpu.memory_space<vmem>>
      %dma_wait3A_573 = tpu.memref_squeeze %dma_wait3A_572 : memref<1x128xi32, #tpu.memory_space<vmem>> -> memref<128xi32, #tpu.memory_space<vmem>>
      %dma_wait3A_574 = arith.constant 0 : i32
      %dma_wait3A_575 = arith.constant 0 : i32
      %dma_wait3A_576 = tpu.memref_slice %arg3[%dma_wait3A_574, %dma_wait3A_575] : memref<1000000x32xf32, #tpu.memory_space<hbm>> -> memref<1000000x32xf32, #tpu.memory_space<hbm>>
      %dma_wait3A_577 = tpu.memref_slice %arg7[%dma_wait3A_566] : memref<8x!tpu.dma_semaphore, #tpu.memory_space<semaphore_mem>> -> memref<1x!tpu.dma_semaphore, #tpu.memory_space<semaphore_mem>>
      %dma_wait3A_578 = tpu.memref_squeeze %dma_wait3A_577 : memref<1x!tpu.dma_semaphore, #tpu.memory_space<semaphore_mem>> -> memref<!tpu.dma_semaphore, #tpu.memory_space<semaphore_mem>>
      tpu.wait_indirect_dma semaphore(%dma_wait3A_578 : memref<!tpu.dma_semaphore, #tpu.memory_space<semaphore_mem>>) src(%dma_wait3A_576 : memref<1000000x32xf32, #tpu.memory_space<hbm>>) dst(%dma_wait3A_570 : memref<128x32xf32, #tpu.memory_space<vmem>>)
      %add3A_579 = arith.constant 7 : i32
      %add3A_580 = arith.addi %mul3A_155, %add3A_579 : i32
      %mul3A_581 = arith.constant 128 : i32
      %mul3A_582 = arith.muli %add3A_580, %mul3A_581 : i32
      %add3A_583 = arith.addi %mul3A_2, %mul3A_582 : i32
      %dma_start3A_584 = arith.constant 7 : i32
      %dma_start3A_585 = arith.constant 7 : i32
      %dma_start3A_586 = arith.constant 0 : i32
      %dma_start3A_587 = arith.constant 0 : i32
      %dma_start3A_588 = tpu.memref_slice %arg6[%dma_start3A_584, %dma_start3A_586, %dma_start3A_587] : memref<8x128x32xf32, #tpu.memory_space<vmem>> -> memref<1x128x32xf32, #tpu.memory_space<vmem>>
      %dma_start3A_589 = tpu.memref_squeeze %dma_start3A_588 : memref<1x128x32xf32, #tpu.memory_space<vmem>> -> memref<128x32xf32, #tpu.memory_space<vmem>>
      %dma_start3A_590 = arith.constant 0 : i32
      %dma_start3A_591 = tpu.memref_slice %arg4[%add3A_583, %dma_start3A_590] : memref<819200x32xf32, #tpu.memory_space<hbm>> -> memref<128x32xf32, #tpu.memory_space<hbm>>
      %dma_start3A_592 = tpu.memref_slice %arg8[%dma_start3A_585] : memref<8x!tpu.dma_semaphore, #tpu.memory_space<semaphore_mem>> -> memref<1x!tpu.dma_semaphore, #tpu.memory_space<semaphore_mem>>
      %dma_start3A_593 = tpu.memref_squeeze %dma_start3A_592 : memref<1x!tpu.dma_semaphore, #tpu.memory_space<semaphore_mem>> -> memref<!tpu.dma_semaphore, #tpu.memory_space<semaphore_mem>>
      %dma_start3A_594 = arith.constant 0 : i32
      %dma_start3A_595 = tpu.memref_slice %arg4[%add3A_583, %dma_start3A_594] : memref<819200x32xf32, #tpu.memory_space<hbm>> -> memref<128x32xf32, #tpu.memory_space<hbm>>
      %dma_start3A_596 = arith.constant 0 : i32
      %dma_start3A_597 = arith.constant 0 : i32
      %dma_start3A_598 = tpu.memref_slice %arg6[%dma_start3A_584, %dma_start3A_596, %dma_start3A_597] : memref<8x128x32xf32, #tpu.memory_space<vmem>> -> memref<1x128x32xf32, #tpu.memory_space<vmem>>
      %dma_start3A_599 = tpu.memref_squeeze %dma_start3A_598 : memref<1x128x32xf32, #tpu.memory_space<vmem>> -> memref<128x32xf32, #tpu.memory_space<vmem>>
      tpu.enqueue_dma source(%dma_start3A_599 : memref<128x32xf32, #tpu.memory_space<vmem>>) target(%dma_start3A_595 : memref<128x32xf32, #tpu.memory_space<hbm>>) target_semaphore(%dma_start3A_593 : memref<!tpu.dma_semaphore, #tpu.memory_space<semaphore_mem>>)
    }
    %scan3A_9 = arith.constant 25 : i32
    %dma_wait3A = arith.constant 0 : i32
    %dma_wait3A_10 = arith.constant 0 : i32
    %dma_wait3A_11 = arith.constant 0 : i32
    %dma_wait3A_12 = arith.constant 0 : i32
    %dma_wait3A_13 = tpu.memref_slice %arg6[%dma_wait3A, %dma_wait3A_11, %dma_wait3A_12] : memref<8x128x32xf32, #tpu.memory_space<vmem>> -> memref<1x128x32xf32, #tpu.memory_space<vmem>>
    %dma_wait3A_14 = tpu.memref_squeeze %dma_wait3A_13 : memref<1x128x32xf32, #tpu.memory_space<vmem>> -> memref<128x32xf32, #tpu.memory_space<vmem>>
    %dma_wait3A_15 = arith.constant 0 : i32
    %dma_wait3A_16 = arith.constant 0 : i32
    %dma_wait3A_17 = tpu.memref_slice %arg4[%dma_wait3A_15, %dma_wait3A_16] : memref<819200x32xf32, #tpu.memory_space<hbm>> -> memref<128x32xf32, #tpu.memory_space<hbm>>
    %dma_wait3A_18 = tpu.memref_slice %arg8[%dma_wait3A_10] : memref<8x!tpu.dma_semaphore, #tpu.memory_space<semaphore_mem>> -> memref<1x!tpu.dma_semaphore, #tpu.memory_space<semaphore_mem>>
    %dma_wait3A_19 = tpu.memref_squeeze %dma_wait3A_18 : memref<1x!tpu.dma_semaphore, #tpu.memory_space<semaphore_mem>> -> memref<!tpu.dma_semaphore, #tpu.memory_space<semaphore_mem>>
    %dma_wait3A_20 = arith.constant 0 : i32
    %dma_wait3A_21 = arith.constant 0 : i32
    %dma_wait3A_22 = tpu.memref_slice %arg4[%dma_wait3A_20, %dma_wait3A_21] : memref<819200x32xf32, #tpu.memory_space<hbm>> -> memref<128x32xf32, #tpu.memory_space<hbm>>
    %dma_wait3A_23 = arith.constant 0 : i32
    %dma_wait3A_24 = arith.constant 0 : i32
    %dma_wait3A_25 = tpu.memref_slice %arg6[%dma_wait3A, %dma_wait3A_23, %dma_wait3A_24] : memref<8x128x32xf32, #tpu.memory_space<vmem>> -> memref<1x128x32xf32, #tpu.memory_space<vmem>>
    %dma_wait3A_26 = tpu.memref_squeeze %dma_wait3A_25 : memref<1x128x32xf32, #tpu.memory_space<vmem>> -> memref<128x32xf32, #tpu.memory_space<vmem>>
    tpu.wait_dma2 semaphore(%dma_wait3A_19 : memref<!tpu.dma_semaphore, #tpu.memory_space<semaphore_mem>>) src(%dma_wait3A_26 : memref<128x32xf32, #tpu.memory_space<vmem>>) dst(%dma_wait3A_22 : memref<128x32xf32, #tpu.memory_space<hbm>>)
    %dma_wait3A_27 = arith.constant 1 : i32
    %dma_wait3A_28 = arith.constant 1 : i32
    %dma_wait3A_29 = arith.constant 0 : i32
    %dma_wait3A_30 = arith.constant 0 : i32
    %dma_wait3A_31 = tpu.memref_slice %arg6[%dma_wait3A_27, %dma_wait3A_29, %dma_wait3A_30] : memref<8x128x32xf32, #tpu.memory_space<vmem>> -> memref<1x128x32xf32, #tpu.memory_space<vmem>>
    %dma_wait3A_32 = tpu.memref_squeeze %dma_wait3A_31 : memref<1x128x32xf32, #tpu.memory_space<vmem>> -> memref<128x32xf32, #tpu.memory_space<vmem>>
    %dma_wait3A_33 = arith.constant 0 : i32
    %dma_wait3A_34 = arith.constant 0 : i32
    %dma_wait3A_35 = tpu.memref_slice %arg4[%dma_wait3A_33, %dma_wait3A_34] : memref<819200x32xf32, #tpu.memory_space<hbm>> -> memref<128x32xf32, #tpu.memory_space<hbm>>
    %dma_wait3A_36 = tpu.memref_slice %arg8[%dma_wait3A_28] : memref<8x!tpu.dma_semaphore, #tpu.memory_space<semaphore_mem>> -> memref<1x!tpu.dma_semaphore, #tpu.memory_space<semaphore_mem>>
    %dma_wait3A_37 = tpu.memref_squeeze %dma_wait3A_36 : memref<1x!tpu.dma_semaphore, #tpu.memory_space<semaphore_mem>> -> memref<!tpu.dma_semaphore, #tpu.memory_space<semaphore_mem>>
    %dma_wait3A_38 = arith.constant 0 : i32
    %dma_wait3A_39 = arith.constant 0 : i32
    %dma_wait3A_40 = tpu.memref_slice %arg4[%dma_wait3A_38, %dma_wait3A_39] : memref<819200x32xf32, #tpu.memory_space<hbm>> -> memref<128x32xf32, #tpu.memory_space<hbm>>
    %dma_wait3A_41 = arith.constant 0 : i32
    %dma_wait3A_42 = arith.constant 0 : i32
    %dma_wait3A_43 = tpu.memref_slice %arg6[%dma_wait3A_27, %dma_wait3A_41, %dma_wait3A_42] : memref<8x128x32xf32, #tpu.memory_space<vmem>> -> memref<1x128x32xf32, #tpu.memory_space<vmem>>
    %dma_wait3A_44 = tpu.memref_squeeze %dma_wait3A_43 : memref<1x128x32xf32, #tpu.memory_space<vmem>> -> memref<128x32xf32, #tpu.memory_space<vmem>>
    tpu.wait_dma2 semaphore(%dma_wait3A_37 : memref<!tpu.dma_semaphore, #tpu.memory_space<semaphore_mem>>) src(%dma_wait3A_44 : memref<128x32xf32, #tpu.memory_space<vmem>>) dst(%dma_wait3A_40 : memref<128x32xf32, #tpu.memory_space<hbm>>)
    %dma_wait3A_45 = arith.constant 2 : i32
    %dma_wait3A_46 = arith.constant 2 : i32
    %dma_wait3A_47 = arith.constant 0 : i32
    %dma_wait3A_48 = arith.constant 0 : i32
    %dma_wait3A_49 = tpu.memref_slice %arg6[%dma_wait3A_45, %dma_wait3A_47, %dma_wait3A_48] : memref<8x128x32xf32, #tpu.memory_space<vmem>> -> memref<1x128x32xf32, #tpu.memory_space<vmem>>
    %dma_wait3A_50 = tpu.memref_squeeze %dma_wait3A_49 : memref<1x128x32xf32, #tpu.memory_space<vmem>> -> memref<128x32xf32, #tpu.memory_space<vmem>>
    %dma_wait3A_51 = arith.constant 0 : i32
    %dma_wait3A_52 = arith.constant 0 : i32
    %dma_wait3A_53 = tpu.memref_slice %arg4[%dma_wait3A_51, %dma_wait3A_52] : memref<819200x32xf32, #tpu.memory_space<hbm>> -> memref<128x32xf32, #tpu.memory_space<hbm>>
    %dma_wait3A_54 = tpu.memref_slice %arg8[%dma_wait3A_46] : memref<8x!tpu.dma_semaphore, #tpu.memory_space<semaphore_mem>> -> memref<1x!tpu.dma_semaphore, #tpu.memory_space<semaphore_mem>>
    %dma_wait3A_55 = tpu.memref_squeeze %dma_wait3A_54 : memref<1x!tpu.dma_semaphore, #tpu.memory_space<semaphore_mem>> -> memref<!tpu.dma_semaphore, #tpu.memory_space<semaphore_mem>>
    %dma_wait3A_56 = arith.constant 0 : i32
    %dma_wait3A_57 = arith.constant 0 : i32
    %dma_wait3A_58 = tpu.memref_slice %arg4[%dma_wait3A_56, %dma_wait3A_57] : memref<819200x32xf32, #tpu.memory_space<hbm>> -> memref<128x32xf32, #tpu.memory_space<hbm>>
    %dma_wait3A_59 = arith.constant 0 : i32
    %dma_wait3A_60 = arith.constant 0 : i32
    %dma_wait3A_61 = tpu.memref_slice %arg6[%dma_wait3A_45, %dma_wait3A_59, %dma_wait3A_60] : memref<8x128x32xf32, #tpu.memory_space<vmem>> -> memref<1x128x32xf32, #tpu.memory_space<vmem>>
    %dma_wait3A_62 = tpu.memref_squeeze %dma_wait3A_61 : memref<1x128x32xf32, #tpu.memory_space<vmem>> -> memref<128x32xf32, #tpu.memory_space<vmem>>
    tpu.wait_dma2 semaphore(%dma_wait3A_55 : memref<!tpu.dma_semaphore, #tpu.memory_space<semaphore_mem>>) src(%dma_wait3A_62 : memref<128x32xf32, #tpu.memory_space<vmem>>) dst(%dma_wait3A_58 : memref<128x32xf32, #tpu.memory_space<hbm>>)
    %dma_wait3A_63 = arith.constant 3 : i32
    %dma_wait3A_64 = arith.constant 3 : i32
    %dma_wait3A_65 = arith.constant 0 : i32
    %dma_wait3A_66 = arith.constant 0 : i32
    %dma_wait3A_67 = tpu.memref_slice %arg6[%dma_wait3A_63, %dma_wait3A_65, %dma_wait3A_66] : memref<8x128x32xf32, #tpu.memory_space<vmem>> -> memref<1x128x32xf32, #tpu.memory_space<vmem>>
    %dma_wait3A_68 = tpu.memref_squeeze %dma_wait3A_67 : memref<1x128x32xf32, #tpu.memory_space<vmem>> -> memref<128x32xf32, #tpu.memory_space<vmem>>
    %dma_wait3A_69 = arith.constant 0 : i32
    %dma_wait3A_70 = arith.constant 0 : i32
    %dma_wait3A_71 = tpu.memref_slice %arg4[%dma_wait3A_69, %dma_wait3A_70] : memref<819200x32xf32, #tpu.memory_space<hbm>> -> memref<128x32xf32, #tpu.memory_space<hbm>>
    %dma_wait3A_72 = tpu.memref_slice %arg8[%dma_wait3A_64] : memref<8x!tpu.dma_semaphore, #tpu.memory_space<semaphore_mem>> -> memref<1x!tpu.dma_semaphore, #tpu.memory_space<semaphore_mem>>
    %dma_wait3A_73 = tpu.memref_squeeze %dma_wait3A_72 : memref<1x!tpu.dma_semaphore, #tpu.memory_space<semaphore_mem>> -> memref<!tpu.dma_semaphore, #tpu.memory_space<semaphore_mem>>
    %dma_wait3A_74 = arith.constant 0 : i32
    %dma_wait3A_75 = arith.constant 0 : i32
    %dma_wait3A_76 = tpu.memref_slice %arg4[%dma_wait3A_74, %dma_wait3A_75] : memref<819200x32xf32, #tpu.memory_space<hbm>> -> memref<128x32xf32, #tpu.memory_space<hbm>>
    %dma_wait3A_77 = arith.constant 0 : i32
    %dma_wait3A_78 = arith.constant 0 : i32
    %dma_wait3A_79 = tpu.memref_slice %arg6[%dma_wait3A_63, %dma_wait3A_77, %dma_wait3A_78] : memref<8x128x32xf32, #tpu.memory_space<vmem>> -> memref<1x128x32xf32, #tpu.memory_space<vmem>>
    %dma_wait3A_80 = tpu.memref_squeeze %dma_wait3A_79 : memref<1x128x32xf32, #tpu.memory_space<vmem>> -> memref<128x32xf32, #tpu.memory_space<vmem>>
    tpu.wait_dma2 semaphore(%dma_wait3A_73 : memref<!tpu.dma_semaphore, #tpu.memory_space<semaphore_mem>>) src(%dma_wait3A_80 : memref<128x32xf32, #tpu.memory_space<vmem>>) dst(%dma_wait3A_76 : memref<128x32xf32, #tpu.memory_space<hbm>>)
    %dma_wait3A_81 = arith.constant 4 : i32
    %dma_wait3A_82 = arith.constant 4 : i32
    %dma_wait3A_83 = arith.constant 0 : i32
    %dma_wait3A_84 = arith.constant 0 : i32
    %dma_wait3A_85 = tpu.memref_slice %arg6[%dma_wait3A_81, %dma_wait3A_83, %dma_wait3A_84] : memref<8x128x32xf32, #tpu.memory_space<vmem>> -> memref<1x128x32xf32, #tpu.memory_space<vmem>>
    %dma_wait3A_86 = tpu.memref_squeeze %dma_wait3A_85 : memref<1x128x32xf32, #tpu.memory_space<vmem>> -> memref<128x32xf32, #tpu.memory_space<vmem>>
    %dma_wait3A_87 = arith.constant 0 : i32
    %dma_wait3A_88 = arith.constant 0 : i32
    %dma_wait3A_89 = tpu.memref_slice %arg4[%dma_wait3A_87, %dma_wait3A_88] : memref<819200x32xf32, #tpu.memory_space<hbm>> -> memref<128x32xf32, #tpu.memory_space<hbm>>
    %dma_wait3A_90 = tpu.memref_slice %arg8[%dma_wait3A_82] : memref<8x!tpu.dma_semaphore, #tpu.memory_space<semaphore_mem>> -> memref<1x!tpu.dma_semaphore, #tpu.memory_space<semaphore_mem>>
    %dma_wait3A_91 = tpu.memref_squeeze %dma_wait3A_90 : memref<1x!tpu.dma_semaphore, #tpu.memory_space<semaphore_mem>> -> memref<!tpu.dma_semaphore, #tpu.memory_space<semaphore_mem>>
    %dma_wait3A_92 = arith.constant 0 : i32
    %dma_wait3A_93 = arith.constant 0 : i32
    %dma_wait3A_94 = tpu.memref_slice %arg4[%dma_wait3A_92, %dma_wait3A_93] : memref<819200x32xf32, #tpu.memory_space<hbm>> -> memref<128x32xf32, #tpu.memory_space<hbm>>
    %dma_wait3A_95 = arith.constant 0 : i32
    %dma_wait3A_96 = arith.constant 0 : i32
    %dma_wait3A_97 = tpu.memref_slice %arg6[%dma_wait3A_81, %dma_wait3A_95, %dma_wait3A_96] : memref<8x128x32xf32, #tpu.memory_space<vmem>> -> memref<1x128x32xf32, #tpu.memory_space<vmem>>
    %dma_wait3A_98 = tpu.memref_squeeze %dma_wait3A_97 : memref<1x128x32xf32, #tpu.memory_space<vmem>> -> memref<128x32xf32, #tpu.memory_space<vmem>>
    tpu.wait_dma2 semaphore(%dma_wait3A_91 : memref<!tpu.dma_semaphore, #tpu.memory_space<semaphore_mem>>) src(%dma_wait3A_98 : memref<128x32xf32, #tpu.memory_space<vmem>>) dst(%dma_wait3A_94 : memref<128x32xf32, #tpu.memory_space<hbm>>)
    %dma_wait3A_99 = arith.constant 5 : i32
    %dma_wait3A_100 = arith.constant 5 : i32
    %dma_wait3A_101 = arith.constant 0 : i32
    %dma_wait3A_102 = arith.constant 0 : i32
    %dma_wait3A_103 = tpu.memref_slice %arg6[%dma_wait3A_99, %dma_wait3A_101, %dma_wait3A_102] : memref<8x128x32xf32, #tpu.memory_space<vmem>> -> memref<1x128x32xf32, #tpu.memory_space<vmem>>
    %dma_wait3A_104 = tpu.memref_squeeze %dma_wait3A_103 : memref<1x128x32xf32, #tpu.memory_space<vmem>> -> memref<128x32xf32, #tpu.memory_space<vmem>>
    %dma_wait3A_105 = arith.constant 0 : i32
    %dma_wait3A_106 = arith.constant 0 : i32
    %dma_wait3A_107 = tpu.memref_slice %arg4[%dma_wait3A_105, %dma_wait3A_106] : memref<819200x32xf32, #tpu.memory_space<hbm>> -> memref<128x32xf32, #tpu.memory_space<hbm>>
    %dma_wait3A_108 = tpu.memref_slice %arg8[%dma_wait3A_100] : memref<8x!tpu.dma_semaphore, #tpu.memory_space<semaphore_mem>> -> memref<1x!tpu.dma_semaphore, #tpu.memory_space<semaphore_mem>>
    %dma_wait3A_109 = tpu.memref_squeeze %dma_wait3A_108 : memref<1x!tpu.dma_semaphore, #tpu.memory_space<semaphore_mem>> -> memref<!tpu.dma_semaphore, #tpu.memory_space<semaphore_mem>>
    %dma_wait3A_110 = arith.constant 0 : i32
    %dma_wait3A_111 = arith.constant 0 : i32
    %dma_wait3A_112 = tpu.memref_slice %arg4[%dma_wait3A_110, %dma_wait3A_111] : memref<819200x32xf32, #tpu.memory_space<hbm>> -> memref<128x32xf32, #tpu.memory_space<hbm>>
    %dma_wait3A_113 = arith.constant 0 : i32
    %dma_wait3A_114 = arith.constant 0 : i32
    %dma_wait3A_115 = tpu.memref_slice %arg6[%dma_wait3A_99, %dma_wait3A_113, %dma_wait3A_114] : memref<8x128x32xf32, #tpu.memory_space<vmem>> -> memref<1x128x32xf32, #tpu.memory_space<vmem>>
    %dma_wait3A_116 = tpu.memref_squeeze %dma_wait3A_115 : memref<1x128x32xf32, #tpu.memory_space<vmem>> -> memref<128x32xf32, #tpu.memory_space<vmem>>
    tpu.wait_dma2 semaphore(%dma_wait3A_109 : memref<!tpu.dma_semaphore, #tpu.memory_space<semaphore_mem>>) src(%dma_wait3A_116 : memref<128x32xf32, #tpu.memory_space<vmem>>) dst(%dma_wait3A_112 : memref<128x32xf32, #tpu.memory_space<hbm>>)
    %dma_wait3A_117 = arith.constant 6 : i32
    %dma_wait3A_118 = arith.constant 6 : i32
    %dma_wait3A_119 = arith.constant 0 : i32
    %dma_wait3A_120 = arith.constant 0 : i32
    %dma_wait3A_121 = tpu.memref_slice %arg6[%dma_wait3A_117, %dma_wait3A_119, %dma_wait3A_120] : memref<8x128x32xf32, #tpu.memory_space<vmem>> -> memref<1x128x32xf32, #tpu.memory_space<vmem>>
    %dma_wait3A_122 = tpu.memref_squeeze %dma_wait3A_121 : memref<1x128x32xf32, #tpu.memory_space<vmem>> -> memref<128x32xf32, #tpu.memory_space<vmem>>
    %dma_wait3A_123 = arith.constant 0 : i32
    %dma_wait3A_124 = arith.constant 0 : i32
    %dma_wait3A_125 = tpu.memref_slice %arg4[%dma_wait3A_123, %dma_wait3A_124] : memref<819200x32xf32, #tpu.memory_space<hbm>> -> memref<128x32xf32, #tpu.memory_space<hbm>>
    %dma_wait3A_126 = tpu.memref_slice %arg8[%dma_wait3A_118] : memref<8x!tpu.dma_semaphore, #tpu.memory_space<semaphore_mem>> -> memref<1x!tpu.dma_semaphore, #tpu.memory_space<semaphore_mem>>
    %dma_wait3A_127 = tpu.memref_squeeze %dma_wait3A_126 : memref<1x!tpu.dma_semaphore, #tpu.memory_space<semaphore_mem>> -> memref<!tpu.dma_semaphore, #tpu.memory_space<semaphore_mem>>
    %dma_wait3A_128 = arith.constant 0 : i32
    %dma_wait3A_129 = arith.constant 0 : i32
    %dma_wait3A_130 = tpu.memref_slice %arg4[%dma_wait3A_128, %dma_wait3A_129] : memref<819200x32xf32, #tpu.memory_space<hbm>> -> memref<128x32xf32, #tpu.memory_space<hbm>>
    %dma_wait3A_131 = arith.constant 0 : i32
    %dma_wait3A_132 = arith.constant 0 : i32
    %dma_wait3A_133 = tpu.memref_slice %arg6[%dma_wait3A_117, %dma_wait3A_131, %dma_wait3A_132] : memref<8x128x32xf32, #tpu.memory_space<vmem>> -> memref<1x128x32xf32, #tpu.memory_space<vmem>>
    %dma_wait3A_134 = tpu.memref_squeeze %dma_wait3A_133 : memref<1x128x32xf32, #tpu.memory_space<vmem>> -> memref<128x32xf32, #tpu.memory_space<vmem>>
    tpu.wait_dma2 semaphore(%dma_wait3A_127 : memref<!tpu.dma_semaphore, #tpu.memory_space<semaphore_mem>>) src(%dma_wait3A_134 : memref<128x32xf32, #tpu.memory_space<vmem>>) dst(%dma_wait3A_130 : memref<128x32xf32, #tpu.memory_space<hbm>>)
    %dma_wait3A_135 = arith.constant 7 : i32
    %dma_wait3A_136 = arith.constant 7 : i32
    %dma_wait3A_137 = arith.constant 0 : i32
    %dma_wait3A_138 = arith.constant 0 : i32
    %dma_wait3A_139 = tpu.memref_slice %arg6[%dma_wait3A_135, %dma_wait3A_137, %dma_wait3A_138] : memref<8x128x32xf32, #tpu.memory_space<vmem>> -> memref<1x128x32xf32, #tpu.memory_space<vmem>>
    %dma_wait3A_140 = tpu.memref_squeeze %dma_wait3A_139 : memref<1x128x32xf32, #tpu.memory_space<vmem>> -> memref<128x32xf32, #tpu.memory_space<vmem>>
    %dma_wait3A_141 = arith.constant 0 : i32
    %dma_wait3A_142 = arith.constant 0 : i32
    %dma_wait3A_143 = tpu.memref_slice %arg4[%dma_wait3A_141, %dma_wait3A_142] : memref<819200x32xf32, #tpu.memory_space<hbm>> -> memref<128x32xf32, #tpu.memory_space<hbm>>
    %dma_wait3A_144 = tpu.memref_slice %arg8[%dma_wait3A_136] : memref<8x!tpu.dma_semaphore, #tpu.memory_space<semaphore_mem>> -> memref<1x!tpu.dma_semaphore, #tpu.memory_space<semaphore_mem>>
    %dma_wait3A_145 = tpu.memref_squeeze %dma_wait3A_144 : memref<1x!tpu.dma_semaphore, #tpu.memory_space<semaphore_mem>> -> memref<!tpu.dma_semaphore, #tpu.memory_space<semaphore_mem>>
    %dma_wait3A_146 = arith.constant 0 : i32
    %dma_wait3A_147 = arith.constant 0 : i32
    %dma_wait3A_148 = tpu.memref_slice %arg4[%dma_wait3A_146, %dma_wait3A_147] : memref<819200x32xf32, #tpu.memory_space<hbm>> -> memref<128x32xf32, #tpu.memory_space<hbm>>
    %dma_wait3A_149 = arith.constant 0 : i32
    %dma_wait3A_150 = arith.constant 0 : i32
    %dma_wait3A_151 = tpu.memref_slice %arg6[%dma_wait3A_135, %dma_wait3A_149, %dma_wait3A_150] : memref<8x128x32xf32, #tpu.memory_space<vmem>> -> memref<1x128x32xf32, #tpu.memory_space<vmem>>
    %dma_wait3A_152 = tpu.memref_squeeze %dma_wait3A_151 : memref<1x128x32xf32, #tpu.memory_space<vmem>> -> memref<128x32xf32, #tpu.memory_space<vmem>>
    tpu.wait_dma2 semaphore(%dma_wait3A_145 : memref<!tpu.dma_semaphore, #tpu.memory_space<semaphore_mem>>) src(%dma_wait3A_152 : memref<128x32xf32, #tpu.memory_space<vmem>>) dst(%dma_wait3A_148 : memref<128x32xf32, #tpu.memory_space<hbm>>)
    return
  }
}

</mosaic_0001>

<sc_bundles>
// kernel: kernel.3.cloned.1.call-start
scs
__scs_entry_jumppad:
0x0: {  	(pc) =	sbr.rel $0x88, $3  }
0x1: {  	(tag) =	ssettag $0x0;
	lr =	simm.s32 $0x1  }
0x2: {  	[smem:$0x3F9F] =	sst lr;
	_ =	strace $0xD0000000  }
0x3: {  	_ = 	snop  }
0x4: {  	_ = 	snop  }
0x5: {  	_ = 	snop  }
0x6: {  	_ = 	snop  }
0x7: {  	_ = 	snop  }
__scs_overlays_trampoline_lowered:
0x8: {  	[smem:$0x3FAE] =	sst s0  }
0x9: {  	[smem:$0x3FAF] =	sst s1  }
0xa: {  	[smem:$0x3FB0] =	sst s2  }
0xb: {  	[smem:$0x3FB1] =	sst s3  }
0xc: {  	[smem:$0x3FB2] =	sst s4  }
0xd: {  	[smem:$0x3FB3] =	sst s5  }
0xe: {  	[smem:$0x3FB4] =	sst s6  }
0xf: {  	[smem:$0x3FB5] =	sst s7  }
0x10: {  	[smem:$0x3FB6] =	sst s8  }
0x11: {  	[smem:$0x3FB7] =	sst s9;
	s0 =	simm.s32 @!p0 $0x0  }
0x12: {  	s1 =	sld [smem:$0x3F9D];
	s0 =	simm.s32 @p0 $0x1  }
0x13: {  	[smem:$0x3FB8] =	sst s0;
	s0 =	simm.s32 @!p1 $0x0  }
0x14: {  	s2 =	sld [smem:$0x3F9C];
	s0 =	simm.s32 @p1 $0x1  }
0x15: {  	[smem:$0x3FB9] =	sst s0;
	s0 =	simm.s32 @!p2 $0x0  }
0x16: {  	s3 =	sld [smem:$0x3FDB];
	s0 =	simm.s32 @p2 $0x1  }
0x17: {  	s4 =	simm.s32 $0x1BF5;
	[smem:$0x3FBB] =	sst s0  }
0x18: {  	s0 =	sld [smem:$0x3F9E];
	_ =	swait.ge [sflag:s4], $0x0  }
0x19: {  	s7 =	sld [smem:$0x3F9F]  }
0x1a: {  	s8 =	sadd.s32 $0xFFFFE003, lr  }
0x1b: {  	s9 =	sadd.s32 $0xFFFFFEF7, lr;
	s5 =	simm.s32 $0xFFFFFFFF;
	p2 =	slt.u32 s8, $0xFFFFF086  }
0x1c: {  	p1 =	slt.u32 s9, $0xF7A;
	s5 =	simm.s32 @!p2 $0x0  }
0x1d: {  	s5 =	simm.s32 @p1 $0x1;
	p0 =	seq.s32 s7, s2  }
0x1e: {  	s7 =	smul.u32 @!p0 $0xF7A, s2;
	p2 =	seq.s32 @!p0 s5, $0x0  }
0x1f: {  	s9 =	smul.u32 $0xF7A, s1;
	s8 =	simm.s32 @!p0 $0x1BF5;
	p2 =	por !p2, p0  }
0x20: {  	[sflag:s8] =	ssyncset.s32 @!p0 $0xFFFFF086;
	s6 =	sadd.s32 @!p0 s3, s7;
	s7 =	simm.s32 @!p0 $0x108  }
0x21: {  	s3 =	sadd.s32 s3, s9;
	s6 =	sadd.s32 @!p0 $0x88, s6;
	s7 =	simm.s32 @p2 $0x1082  }
0x22: {  	[simem:s7], [sflag:s8] =	dma.local @!p0 [hbm:s6], $0xF7A  }
0x23: {  	s9 =	sor.u32 $0xD0000000, s2;
	s6 =	simm.s32 $0x108;
	_ =	swait.ge @!p0 [sflag:s8], $0x0  }
0x24: {  	s3 =	sadd.s32 $0x88, s3;
	s6 =	simm.s32 @!p1 $0x1082;
	[sflag:s4] =	ssyncset.s32 $0xFFFFF086  }
0x25: {  	[simem:s6], [sflag:s4] =	dma.local [hbm:s3], $0xF7A  }
0x26: {  	[smem:$0x3F9F] =	sst s1;
	(tag) =	ssettag s2;
	_ =	strace s9  }
0x27: {  	s1 =	sld [smem:$0x3FAF]  }
0x28: {  	s2 =	sld [smem:$0x3FB0]  }
0x29: {  	s4 =	sld [smem:$0x3FB2]  }
0x2a: {  	p0 =	seq.s32 s5, $0x0;
	s5 =	sld [smem:$0x3FB3]  }
0x2b: {  	s6 =	sld [smem:$0x3FB4]  }
0x2c: {  	s7 =	sld [smem:$0x3FB5]  }
0x2d: {  	s3 =	simm.s32 $0x108;
	s8 =	sld [smem:$0x3FB6]  }
0x2e: {  	s3 =	simm.s32 @!p0 $0x1082;
	s9 =	sld [smem:$0x3FB7]  }
0x2f: {  	lr =	sadd.s32 s0, s3;
	s0 =	sld [smem:$0x3FAE]  }
0x30: {  	s3 =	sld [smem:$0x3FB1]  }
0x31: {  	[smem:$0x3FBA] =	sst s10  }
0x32: {  	s10 =	sld [smem:$0x3FB8];
	_ =	sdelay $0x3  }
0x33: {  	p0 =	seq.s32 s10, $0x1;
	s10 =	sld [smem:$0x3FBA];
	_ =	sdelay $0x3  }
0x34: {  	[smem:$0x3FBA] =	sst s10  }
0x35: {  	s10 =	sld [smem:$0x3FB9];
	_ =	sdelay $0x3  }
0x36: {  	p1 =	seq.s32 s10, $0x1;
	s10 =	sld [smem:$0x3FBA];
	_ =	sdelay $0x3  }
0x37: {  	[smem:$0x3FBA] =	sst s10  }
0x38: {  	s10 =	sld [smem:$0x3FBB]  }
0x39: {  	_ = 	snop;
	(pc) =	sbr.ind lr, $3  }
0x3a: {  	_ = 	snop  }
0x3b: {  	_ = 	snop  }
0x3c: {  	p2 =	seq.s32 s10, $0x1;
	s10 =	sld [smem:$0x3FBA]  }
0x3d: {  	_ =	shalt  }
0x3e: {  	_ =	shalt  }
0x3f: {  	_ =	shalt  }
0x40: {  	_ =	shalt  }
0x41: {  	_ =	shalt  }
0x42: {  	_ =	shalt  }
0x43: {  	_ =	shalt  }
0x44: {  	_ =	shalt  }
0x45: {  	_ =	shalt  }
0x46: {  	_ =	shalt  }
0x47: {  	_ =	shalt  }
0x48: {  	_ =	shalt  }
0x49: {  	_ =	shalt  }
0x4a: {  	_ =	shalt  }
0x4b: {  	_ =	shalt  }
0x4c: {  	_ =	shalt  }
0x4d: {  	_ =	shalt  }
0x4e: {  	_ =	shalt  }
0x4f: {  	_ =	shalt  }
0x50: {  	_ =	shalt  }
0x51: {  	_ =	shalt  }
0x52: {  	_ =	shalt  }
0x53: {  	_ =	shalt  }
0x54: {  	_ =	shalt  }
0x55: {  	_ =	shalt  }
0x56: {  	_ =	shalt  }
0x57: {  	_ =	shalt  }
0x58: {  	_ =	shalt  }
0x59: {  	_ =	shalt  }
0x5a: {  	_ =	shalt  }
0x5b: {  	_ =	shalt  }
0x5c: {  	_ =	shalt  }
0x5d: {  	_ =	shalt  }
0x5e: {  	_ =	shalt  }
0x5f: {  	_ =	shalt  }
0x60: {  	_ =	shalt  }
0x61: {  	_ =	shalt  }
0x62: {  	_ =	shalt  }
0x63: {  	_ =	shalt  }
0x64: {  	_ =	shalt  }
0x65: {  	_ =	shalt  }
0x66: {  	_ =	shalt  }
0x67: {  	_ =	shalt  }
0x68: {  	_ =	shalt  }
0x69: {  	_ =	shalt  }
0x6a: {  	_ =	shalt  }
0x6b: {  	_ =	shalt  }
0x6c: {  	_ =	shalt  }
0x6d: {  	_ =	shalt  }
0x6e: {  	_ =	shalt  }
0x6f: {  	_ =	shalt  }
0x70: {  	_ =	shalt  }
0x71: {  	_ =	shalt  }
0x72: {  	_ =	shalt  }
0x73: {  	_ =	shalt  }
0x74: {  	_ =	shalt  }
0x75: {  	_ =	shalt  }
0x76: {  	_ =	shalt  }
0x77: {  	_ =	shalt  }
0x78: {  	_ =	shalt  }
0x79: {  	_ =	shalt  }
0x7a: {  	_ =	shalt  }
0x7b: {  	_ =	shalt  }
0x7c: {  	_ =	shalt  }
0x7d: {  	_ =	shalt  }
0x7e: {  	_ =	shalt  }
0x7f: {  	_ =	shalt  }
0x80: {  	_ =	shalt  }
0x81: {  	_ =	shalt  }
0x82: {  	_ =	shalt  }
0x83: {  	_ =	shalt  }
0x84: {  	_ =	shalt  }
0x85: {  	_ =	shalt  }
0x86: {  	_ =	shalt  }
0x87: {  	_ =	shalt  }
.Lfunc_end0:
.L_simem_size_0:
called_computation.2_lowered:
.L_overlay_start_0:
0x88: {  	s2 =	sld [smem:$0x3FD9]  }
0x89: {  	s3 =	sld [smem:$0x3FFE];
	_ =	sdelay $0x1  }
0x8a: {  	s1 =	srdreg.scid  }
0x8b: {  	s0 =	sand.u32 $0x1, s1  }
0x8c: {  	s17 =	sshll.u32 s0, $0xA;
	s2 =	sadd.s32 s3, s2  }
0x8d: {  	s2 =	sadd.s32 s2, s17  }
0x8e: {  	[smem:$0x3FC6] =	sst s2  }
0x8f: {  	_ = 	snop  }
0x90: {  	s2 =	sld [smem:$0x3FD0];
	(tm) =	ssettm $0x1  }
0x91: {  	s18 =	sld [smem:$0x3FFB];
	_ =	sdelay $0x3  }
0x92: {  	_ =	strace s18  }
0x93: {  	s3 =	sld [smem:$0x3FFC];
	_ =	sdelay $0x3  }
0x94: {  	_ =	strace s3  }
0x95: {  	s3 =	sld [smem:$0x3FFD];
	_ =	sdelay $0x3  }
0x96: {  	_ =	strace s3  }
0x97: {  	_ =	strace $0x8FFFFFFF  }
0x98: {  	s19 =	sld [smem:$0x3FDB];
	_ =	sdelay $0x1  }
0x99: {  	s4 =	simm.s32 $_scs_section_size  }
0x9a: {  	s5 =	simm.s32 $_size__tile_overlayer_lowered;
	s6 =	simm.s32 $_tile_overlayer_lowered  }
0x9b: {  	s22 =	simm.s32 $0x1BFF;
	s21 =	sshll.u32 s6, $0x1;
	s3 =	sadd.s32 s4, s19  }
0x9c: {  	s7 =	simm.s32 $0x0;
	s20 =	sshll.u32 s5, $0x1;
	s5 =	sadd.s32 s21, s3  }
0x9d: {  	[timem:s7], [sflag:s22] =	dma.local [hbm:s5], s20  }
0x9e: {  	_ =	swait.ge [sflag:s22], s20  }
0x9f: {  	s4 =	ssub.s32 $0x0, s20;
	[sflag:s22] =	ssyncset.done $0x0  }
0xa0: {  	[sflag:s22] =	ssyncadd.s32 s4;
	_ =	sdelay $0x1  }
0xa1: {  	s23 =	simm.s32 $0x1B8B  }
0xa2: {  	_ =	swait.ge [sflag:s23], $0x1  }
0xa3: {  	[sflag:s23] =	ssyncset.done $0x0  }
0xa4: {  	s25 =	simm.s32 $0x1B8E;
	s24 =	sld [smem:$0x3FFE];
	[sflag:s23] =	ssyncadd.s32 $0xFFFFFFFF  }
0xa5: {  	s26 =	simm.s32 $execute0_lowered;
	[smem:$0x3FD2] =	sst s25  }
0xa6: {  	s5 =	sshll.u32 s26, $0x1;
	_ =	strace $0x80000046;
	[dreg:$0x1] =	wrdreg $0xFFFFFFFF  }
0xa7: {  	s28 =	simm.s32 $_size_execute0_lowered;
	s3 =	sadd.s32 s3, s5;
	[dreg:$0x0] =	wrdreg $0x0  }
0xa8: {  	s5 =	sshll.u32 s28, $0x1;
	[dreg:$0x2] =	wrdreg s3  }
0xa9: {  	[dreg:$0x3] =	wrdreg s5  }
0xaa: {  	[dreg:$0x4] =	wrdreg $0xC0  }
0xab: {  	_ =	task [dreg:s7], $0x5FFFF  }
0xac: {  	[dreg:$0x1] =	wrdreg $0xFFFFFFFF  }
0xad: {  	[dreg:$0x0] =	wrdreg $0x60  }
0xae: {  	[dreg:$0x2] =	wrdreg s24  }
0xaf: {  	[dreg:$0x3] =	wrdreg s2  }
0xb0: {  	[dreg:$0x4] =	wrdreg $0x9  }
0xb1: {  	_ =	task.clear_ibuf [dreg:s7], $0x5FFFF;
	_ =	strace $0x90000046  }
0xb2: {  	s29 =	simm.s32 $0x9;
	_ =	strace $0x80000048  }
0xb3: {  	_ =	swait.ge [sflag:s29], $0x1  }
0xb4: {  	[sflag:s29] =	ssyncadd.s32 $0xFFFFFFFF  }
0xb5: {  	_ =	strace $0x90000048  }
0xb6: {  	_ =	sfence  }
0xb7: {  	s30 =	sld [smem:$0x0];
	_ =	sdelay $0x2  }
0xb8: {  	s31 =	sshll.u32 s1, $0xD;
	s1 =	sshrl.u32 s1, $0x2  }
0xb9: {  	s3 =	sand.u32 $0x4000, s31;
	s1 =	sadd.s32 s1, s30  }
0xba: {  	s0 =	sor.u32 s3, s0;
	s1 =	sshll.u32 s1, $0x11  }
0xbb: {  	s0 =	sor.u32 s1, s0  }
0xbc: {  	s0 =	sadd.s32 $0x8F2B, s0  }
0xbd: {  	[sflag:s0] =	ssyncadd.remote.s32 $0x1  }
0xbe: {  	_ =	sfence.sel $0xFFFF  }
0xbf: {  	[dreg:$0x0] =	wrdreg $0xFFFFFFFF;
	(pc) =	sbr.abs _section_cstart, $3  }
0xc0: {  	[dreg:$0x1] =	wrdreg $0xFFFFFFFF  }
0xc1: {  	_ =	task.clear_ibuf [dreg:s7], $0x2FFFF;
	_ =	strace $0x9FFFFFFF  }
0xc2: {  	(tm) =	ssettm $0x7FFFFFFF  }
0xc3: {  	_ =	shalt  }
tec
execute0_lowered:
.L_overlay_start_1:
0x0: {  	(tag) =	ssettag $0x1  }
0x1: {  	s0 =	srdreg.scid;
	s4 =	rddreg [dreg:$0x0]  }
0x2: {  	s8 =	stileid.u32;
	s2 =	rddreg [dreg:$0x1]  }
0x3: {  	s3 =	simm.s32 $0x0;
	s23 =	simm.s32 $0x80;
	s24 =	simm.s32 $0x6400  }
0x4: {  	s25 =	simm.s32 $0x7400;
	s26 =	simm.s32 $0x8400;
	s28 =	simm.s32 $0x9400  }
0x5: {  	s13 =	simm.s32 $0x4;
	s29 =	simm.s32 $0xA400;
	s14 =	simm.s32 $0x5  }
0x6: {  	s30 =	simm.s32 $0xB400;
	s15 =	simm.s32 $0x6;
	[smem:$0x7FF] =	sst s3  }
0x7: {  	s31 =	simm.s32 $0xC400;
	_ =	strace $0x80000047;
	[dreg:$0x5] =	wrdreg s23  }
0x8: {  	s16 =	simm.s32 $0x7;
	s17 =	simm.s32 $0x8;
	[dreg:$0x6] =	wrdreg s24  }
0x9: {  	s0 =	sand.u32 $0x1, s0;
	s6 =	smul.u32 $0x190000, s8;
	[dreg:$0x7] =	wrdreg s25  }
0xa: {  	s1 =	sshll.u32 s8, $0x1;
	s8 =	smul.u32 $0xC800, s8;
	[dreg:$0x8] =	wrdreg s26  }
0xb: {  	s1 =	sor.u32 s0, s1;
	s7 =	smul.u32 $0xC8000, s0;
	[dreg:$0x9] =	wrdreg s28  }
0xc: {  	s9 =	ssub.s32 $0x2, s0;
	s0 =	smul.u32 $0x6400, s0;
	[dreg:$0xa] =	wrdreg s29  }
0xd: {  	[dreg:$0xb] =	wrdreg s30;
	s5 =	smul.u32 $0xC80, s1;
	s19 =	sshrl.u32 s9, $0x1  }
0xe: {  	s12 =	simm.s32 $0xD400;
	[dreg:$0xc] =	wrdreg s31;
	s9 =	ssub.s32 s9, s19  }
0xf: {  	s6 =	sadd.s32 s7, s6;
	s0 =	sadd.s32 s0, s8;
	s10 =	sadd.s32 s5, s4  }
0x10: {  	s5 =	smul.u32 $0x6400, s1;
	s20 =	sshrl.u32 s6, $0x3;
	s22 =	smax.u32 s9, $0x1  }
0x11: {  	s0 =	sshll.u32 s0, $0x2;
	s21 =	sadd.s32 $0xE00, s10;
	[dreg:$0xe] =	wrdreg s22  }
0x12: {  	s1 =	sadd.s32 s20, s2;
	s0 =	sadd.s32 s0, s2;
	[dreg:$0xd] =	wrdreg s21  }
0x13: {  	s4 =	sadd.s32 $0xF43200, s4;
	[dreg:$0x3] =	wrdreg s1;
	s0 =	sadd.s32 $0xE00, s0  }
0x14: {  	s9 =	simm.s32 $0xD400;
	s6 =	simm.s32 $0x0;
	[dreg:$0x4] =	wrdreg s0  }
.LBB2_1:
0x15: {  	[dreg:$0xf] =	wrdreg s6  }
0x16: {  	s0 =	rddreg [dreg:$0xd];
	s11 =	simm.s32 $0x11  }
0x17: {  	[tilespmem:s3], [sflag:$0x11] =	stream.linear.gather [hbm4b:s0+s3], $0x6400, $0x38;
	[tilespmem:$0xE400] =	vst v63  }
0x18: {  	p0 =	por $0x0, $0x0;
	_ =	swait.ge [sflag:s11], $0x6400  }
0x19: {  	p1 =	por p0, p0;
	[sflag:s11] =	ssyncset.done $0x0  }
0x1a: {  	s0 =	simm.s32 @p1 $0x9;
	[sflag:s11] =	ssyncadd.s32 $0xFFFF9C00  }
0x1b: {  	_ =	swait.ge @p1 [sflag:s0], $0x1000  }
0x1c: {  	s1 =	simm.s32 @p1 $0x6400;
	s6 =	simm.s32 @p1 $0xA;
	[sflag:s0] =	ssyncset.done @p1 $0x0  }
0x1d: {  	s7 =	simm.s32 @p1 $0x80;
	[sflag:s0] =	ssyncadd.s32 @p1 $0xFFFFF000;
	s0 =	simm.s32 @p1 $0x0  }
0x1e: {  	[tilespmem:s1], [sflag:$0x1] =	stream.indirect.gather @p1 [hbm4b:s4+s7], $0x20, s0, s7, $0xb8;
	[tilespmem:$0xE400] =	vst v63  }
0x1f: {  	_ =	swait.ge @p1 [sflag:s6], $0x1000  }
0x20: {  	s0 =	simm.s32 @p1 $0x80;
	[sflag:s6] =	ssyncset.done @p1 $0x0  }
0x21: {  	s1 =	simm.s32 @p1 $0x7400;
	[sflag:s6] =	ssyncadd.s32 @p1 $0xFFFFF000;
	s6 =	simm.s32 @p1 $0xB  }
0x22: {  	[tilespmem:s1], [sflag:$0x2] =	stream.indirect.gather @p1 [hbm4b:s4+s7], $0x20, s0, s7, $0xb8;
	[tilespmem:$0xE400] =	vst v63  }
0x23: {  	_ =	swait.ge @p1 [sflag:s6], $0x1000  }
0x24: {  	s0 =	simm.s32 @p1 $0x100;
	[sflag:s6] =	ssyncset.done @p1 $0x0  }
0x25: {  	s1 =	simm.s32 @p1 $0x8400;
	[sflag:s6] =	ssyncadd.s32 @p1 $0xFFFFF000;
	s6 =	simm.s32 @p1 $0xC  }
0x26: {  	[tilespmem:s1], [sflag:$0x3] =	stream.indirect.gather @p1 [hbm4b:s4+s7], $0x20, s0, s7, $0xb8;
	[tilespmem:$0xE400] =	vst v63  }
0x27: {  	_ =	swait.ge @p1 [sflag:s6], $0x1000  }
0x28: {  	s0 =	simm.s32 @p1 $0x180;
	[sflag:s6] =	ssyncset.done @p1 $0x0  }
0x29: {  	s1 =	simm.s32 @p1 $0x9400;
	[sflag:s6] =	ssyncadd.s32 @p1 $0xFFFFF000;
	s6 =	simm.s32 @p1 $0xD  }
0x2a: {  	[tilespmem:s1], [sflag:$0x4] =	stream.indirect.gather @p1 [hbm4b:s4+s7], $0x20, s0, s7, $0xb8;
	[tilespmem:$0xE400] =	vst v63  }
0x2b: {  	_ =	swait.ge @p1 [sflag:s6], $0x1000  }
0x2c: {  	s0 =	simm.s32 @p1 $0x200;
	[sflag:s6] =	ssyncset.done @p1 $0x0  }
0x2d: {  	s1 =	simm.s32 @p1 $0xA400;
	[sflag:s6] =	ssyncadd.s32 @p1 $0xFFFFF000;
	s6 =	simm.s32 @p1 $0xE  }
0x2e: {  	[tilespmem:s1], [sflag:$0x5] =	stream.indirect.gather @p1 [hbm4b:s4+s7], $0x20, s0, s7, $0xb8;
	[tilespmem:$0xE400] =	vst v63  }
0x2f: {  	_ =	swait.ge @p1 [sflag:s6], $0x1000  }
0x30: {  	s0 =	simm.s32 @p1 $0x280;
	[sflag:s6] =	ssyncset.done @p1 $0x0  }
0x31: {  	s1 =	simm.s32 @p1 $0xB400;
	[sflag:s6] =	ssyncadd.s32 @p1 $0xFFFFF000;
	s6 =	simm.s32 @p1 $0xF  }
0x32: {  	[tilespmem:s1], [sflag:$0x6] =	stream.indirect.gather @p1 [hbm4b:s4+s7], $0x20, s0, s7, $0xb8;
	[tilespmem:$0xE400] =	vst v63  }
0x33: {  	_ =	swait.ge @p1 [sflag:s6], $0x1000  }
0x34: {  	s0 =	simm.s32 @p1 $0x300;
	[sflag:s6] =	ssyncset.done @p1 $0x0  }
0x35: {  	s1 =	simm.s32 @p1 $0xC400;
	[sflag:s6] =	ssyncadd.s32 @p1 $0xFFFFF000;
	s6 =	simm.s32 @p1 $0x10  }
0x36: {  	[tilespmem:s1], [sflag:$0x7] =	stream.indirect.gather @p1 [hbm4b:s4+s7], $0x20, s0, s7, $0xb8;
	[tilespmem:$0xE400] =	vst v63  }
0x37: {  	s28 =	simm.s32 $0x1000;
	_ =	swait.ge @p1 [sflag:s6], $0x1000  }
0x38: {  	s18 =	simm.s32 $0x380;
	s0 =	simm.s32 @!p1 $0x6400;
	[sflag:s6] =	ssyncset.done @p1 $0x0  }
0x39: {  	s1 =	simm.s32 @!p1 $0x80;
	[sflag:s6] =	ssyncadd.s32 @p1 $0xFFFFF000;
	s6 =	simm.s32 @!p1 $0x0  }
0x3a: {  	[tilespmem:s0], [sflag:$0x1] =	stream.indirect.gather @!p1 [hbm4b:s4+s1], $0x20, s6, s1, $0xb8;
	[tilespmem:$0xE400] =	vst v63  }
0x3b: {  	s19 =	simm.s32 $0x1;
	s23 =	simm.s32 $0x2;
	s0 =	simm.s32 @!p1 $0x7400  }
0x3c: {  	[tilespmem:s0], [sflag:$0x2] =	stream.indirect.gather @!p1 [hbm4b:s4+s1], $0x20, s1, s1, $0xb8;
	[tilespmem:$0xE400] =	vst v63  }
0x3d: {  	s25 =	simm.s32 $0x3;
	s6 =	simm.s32 @!p1 $0x8400;
	s0 =	simm.s32 @!p1 $0x100  }
0x3e: {  	[tilespmem:s6], [sflag:$0x3] =	stream.indirect.gather @!p1 [hbm4b:s4+s1], $0x20, s0, s1, $0xb8;
	[tilespmem:$0xE400] =	vst v63  }
0x3f: {  	s7 =	simm.s32 @!p1 $0xA400;
	s0 =	simm.s32 @!p1 $0x180;
	s6 =	simm.s32 @!p1 $0x9400  }
0x40: {  	[tilespmem:s6], [sflag:$0x4] =	stream.indirect.gather @!p1 [hbm4b:s4+s1], $0x20, s0, s1, $0xb8;
	[tilespmem:$0xE400] =	vst v63  }
0x41: {  	s8 =	rddreg [dreg:$0x5];
	s0 =	simm.s32 $0x300;
	s6 =	simm.s32 @!p1 $0x200  }
0x42: {  	[tilespmem:s7], [sflag:$0x5] =	stream.indirect.gather @!p1 [hbm4b:s4+s1], $0x20, s6, s1, $0xb8;
	[tilespmem:$0xE400] =	vst v63  }
0x43: {  	s0 =	simm.s32 @!p0 $0x300;
	s6 =	simm.s32 @!p1 $0x280;
	s7 =	simm.s32 @!p1 $0xB400  }
0x44: {  	[tilespmem:s7], [sflag:$0x6] =	stream.indirect.gather @!p1 [hbm4b:s4+s1], $0x20, s6, s1, $0xb8;
	[tilespmem:$0xE400] =	vst v63  }
0x45: {  	s0 =	sadd.s32 s5, s0;
	s6 =	simm.s32 @!p1 $0x300;
	s7 =	simm.s32 @!p1 $0xC400  }
0x46: {  	[tilespmem:s7], [sflag:$0x7] =	stream.indirect.gather @!p1 [hbm4b:s4+s1], $0x20, s6, s1, $0xb8;
	[tilespmem:$0xE400] =	vst v63  }
0x47: {  	s0 =	sshll.u32 s0, $0x2;
	s1 =	simm.s32 @p0 $0x80;
	s6 =	simm.s32 @p0 $0x100  }
0x48: {  	s0 =	sand.u32 $0x1FFFFC00, s0;
	s6 =	simm.s32 @!p0 $0x100;
	s1 =	simm.s32 @!p0 $0x80  }
0x49: {  	[tilespmem:s9], [sflag:$0x8] =	stream.indirect.gather [hbm4b:s4+s8], $0x20, s18, s8, $0xb8;
	[tilespmem:$0xE400] =	vst v63  }
0x4a: {  	s0 =	sadd.s32 s2, s0;
	s1 =	sadd.s32 s5, s1;
	s6 =	sadd.s32 s5, s6  }
0x4b: {  	s18 =	simm.s32 @p0 $0x180;
	s8 =	simm.s32 @p0 $0x200;
	_ =	swait.ge [sflag:s19], $0x1000  }
0x4c: {  	s1 =	sshll.u32 s1, $0x2;
	s6 =	sshll.u32 s6, $0x2;
	s20 =	rddreg [dreg:$0x3]  }
0x4d: {  	s18 =	simm.s32 @!p0 $0x180;
	s8 =	simm.s32 @!p0 $0x200;
	s21 =	rddreg [dreg:$0x6]  }
0x4e: {  	s1 =	sand.u32 $0x1FFFF200, s1;
	[sflag:s19] =	ssyncset.done $0x0;
	s6 =	sand.u32 $0x1FFFF400, s6  }
0x4f: {  	s22 =	sadd.s32 s5, s18;
	s8 =	sadd.s32 s5, s8;
	s18 =	simm.s32 $0x700  }
0x50: {  	[sflag:s19] =	ssyncadd.s32 $0xFFFFF000;
	s7 =	sadd.s32 $0x0, s20;
	s1 =	sadd.s32 s2, s1  }
0x51: {  	[hbm4b:s7+s3] =	stream.linear.scatter [tilespmem:s21], [sflag:$0x9], $0x1000, $0x38;
	[tilespmem:$0xE400] =	vst v63  }
0x52: {  	s8 =	sshll.u32 s8, $0x2;
	s6 =	sadd.s32 s2, s6;
	_ =	swait.ge [sflag:s23], $0x1000  }
0x53: {  	s7 =	sshll.u32 s22, $0x2;
	s8 =	sand.u32 $0x1FFFF800, s8;
	[sflag:s23] =	ssyncset.done $0x0  }
0x54: {  	s7 =	sand.u32 $0x1FFFF600, s7;
	s24 =	rddreg [dreg:$0x7];
	[sflag:s23] =	ssyncadd.s32 $0xFFFFF000  }
0x55: {  	[hbm4b:s1+s3] =	stream.linear.scatter [tilespmem:s24], [sflag:$0xA], $0x1000, $0x38;
	[tilespmem:$0xE400] =	vst v63  }
0x56: {  	s8 =	sadd.s32 s2, s8;
	s7 =	sadd.s32 s2, s7;
	s1 =	simm.s32 @p0 $0x280  }
0x57: {  	_ =	swait.ge [sflag:s25], $0x1000;
	s1 =	simm.s32 @!p0 $0x280;
	p0 =	por $0x1, $0x1  }
0x58: {  	s26 =	rddreg [dreg:$0x8];
	s1 =	sadd.s32 s5, s1;
	[sflag:s25] =	ssyncset.done $0x0  }
0x59: {  	s19 =	simm.s32 @p0 $0x500;
	s18 =	simm.s32 @!p0 $0x300;
	[sflag:s25] =	ssyncadd.s32 $0xFFFFF000  }
0x5a: {  	s1 =	sshll.u32 s1, $0x2;
	s19 =	simm.s32 @!p0 $0x100;
	s24 =	sadd.s32 s5, s18  }
0x5b: {  	[hbm4b:s6+s3] =	stream.linear.scatter [tilespmem:s26], [sflag:$0xB], $0x1000, $0x38;
	[tilespmem:$0xE400] =	vst v63  }
0x5c: {  	s1 =	sand.u32 $0x1FFFFA00, s1;
	s6 =	simm.s32 @p0 $0x480;
	s19 =	sadd.s32 s5, s19  }
0x5d: {  	s26 =	sshll.u32 s24, $0x2;
	_ =	swait.ge [sflag:s13], $0x1000;
	s6 =	simm.s32 @!p0 $0x80  }
0x5e: {  	s10 =	sshll.u32 s19, $0x2;
	s19 =	simm.s32 @p0 $0x580;
	[sflag:s13] =	ssyncset.done $0x0  }
0x5f: {  	s1 =	sadd.s32 s2, s1;
	s9 =	rddreg [dreg:$0x9];
	[sflag:s13] =	ssyncadd.s32 $0xFFFFF000  }
0x60: {  	[hbm4b:s7+s3] =	stream.linear.scatter [tilespmem:s9], [sflag:$0xC], $0x1000, $0x38;
	[tilespmem:$0xE400] =	vst v63  }
0x61: {  	s6 =	sadd.s32 s5, s6;
	s19 =	simm.s32 @!p0 $0x180;
	_ =	swait.ge [sflag:s14], $0x1000  }
0x62: {  	s29 =	sand.u32 $0x1FFFF400, s10;
	s6 =	sshll.u32 s6, $0x2;
	[sflag:s14] =	ssyncset.done $0x0  }
0x63: {  	s19 =	sadd.s32 s5, s19;
	s20 =	rddreg [dreg:$0xa];
	[sflag:s14] =	ssyncadd.s32 $0xFFFFF000  }
0x64: {  	[hbm4b:s8+s3] =	stream.linear.scatter [tilespmem:s20], [sflag:$0xD], $0x1000, $0x38;
	[tilespmem:$0xE400] =	vst v63  }
0x65: {  	s7 =	simm.s32 $0x2000;
	s30 =	sand.u32 $0x1FFFF200, s6;
	s8 =	simm.s32 @p0 $0x600  }
0x66: {  	s20 =	sshll.u32 s19, $0x2;
	_ =	swait.ge [sflag:s15], $0x1000;
	s8 =	simm.s32 @!p0 $0x200  }
0x67: {  	s31 =	sand.u32 $0x1FFFF600, s20;
	s11 =	rddreg [dreg:$0xb];
	[sflag:s15] =	ssyncset.done $0x0  }
0x68: {  	s21 =	sadd.s32 s5, s8;
	s8 =	simm.s32 @p0 $0x680;
	[sflag:s15] =	ssyncadd.s32 $0xFFFFF000  }
0x69: {  	[hbm4b:s1+s3] =	stream.linear.scatter [tilespmem:s11], [sflag:$0xE], $0x1000, $0x38;
	[tilespmem:$0xE400] =	vst v63  }
0x6a: {  	s8 =	simm.s32 @!p0 $0x280;
	p0 =	por p0, p0;
	_ =	swait.ge [sflag:s16], $0x1000  }
0x6b: {  	s1 =	sshll.u32 s21, $0x2;
	s23 =	sadd.s32 s5, s8;
	[sflag:s16] =	ssyncset.done $0x0  }
0x6c: {  	s6 =	sand.u32 $0x1FFFF800, s1;
	s22 =	rddreg [dreg:$0xc];
	[sflag:s16] =	ssyncadd.s32 $0xFFFFF000  }
0x6d: {  	[hbm4b:s0+s3] =	stream.linear.scatter [tilespmem:s22], [sflag:$0xF], $0x1000, $0x38;
	[tilespmem:$0xE400] =	vst v63  }
0x6e: {  	s8 =	simm.s32 $0xB00;
	s1 =	sand.u32 $0x1FFFFC00, s26;
	_ =	swait.ge [sflag:s17], $0x1000  }
0x6f: {  	s0 =	sshll.u32 s23, $0x2;
	s25 =	rddreg [dreg:$0x4];
	[sflag:s17] =	ssyncset.done $0x0  }
0x70: {  	s0 =	sand.u32 $0x1FFFFA00, s0;
	[sflag:s17] =	ssyncadd.s32 $0xFFFFF000;
	s19 =	sadd.s32 $0x0, s25  }
.LBB2_2:
0x71: {  	[hbm4b:s19+s3] =	stream.linear.scatter [tilespmem:s12], [sflag:$0x10], $0x1000, $0x38;
	[tilespmem:$0xE400] =	vst v63  }
0x72: {  	s18 =	smov.u32 s7;
	s19 =	simm.s32 @p0 $0x9;
	s23 =	simm.s32 @p0 $0x6400  }
0x73: {  	s24 =	simm.s32 @p0 $0xA;
	s22 =	simm.s32 @p0 $0x80;
	_ =	swait.ge @p0 [sflag:s19], $0x1000  }
0x74: {  	s10 =	simm.s32 @p0 $0xB;
	p1 =	sne.s32 s18, $0x0;
	[sflag:s19] =	ssyncset.done @p0 $0x0  }
0x75: {  	s21 =	sadd.s32 @p1 $0xFFFFFE00, s8;
	[sflag:s19] =	ssyncadd.s32 @p0 $0xFFFFF000;
	s19 =	sshra.s32 @p0 s28, $0x2  }
0x76: {  	[tilespmem:s23], [sflag:$0x1] =	stream.indirect.gather @p0 [hbm4b:s4+s22], $0x20, s19, s22, $0xb8;
	[tilespmem:$0xE400] =	vst v63  }
0x77: {  	s20 =	sadd.s32 @p1 $0xFFFFFD80, s8;
	s21 =	simm.s32 @!p1 $0x100;
	_ =	swait.ge @p0 [sflag:s24], $0x1000  }
0x78: {  	s20 =	simm.s32 @!p1 $0x80;
	s23 =	sadd.s32 @p0 $0x80, s19;
	[sflag:s24] =	ssyncset.done @p0 $0x0  }
0x79: {  	s25 =	sadd.s32 @p0 $0x180, s19;
	[sflag:s24] =	ssyncadd.s32 @p0 $0xFFFFF000;
	s24 =	simm.s32 @p0 $0x7400  }
0x7a: {  	[tilespmem:s24], [sflag:$0x2] =	stream.indirect.gather @p0 [hbm4b:s4+s22], $0x20, s23, s22, $0xb8;
	[tilespmem:$0xE400] =	vst v63  }
0x7b: {  	s26 =	sadd.s32 @p0 $0x100, s19;
	s9 =	sadd.s32 @p0 $0x280, s19;
	_ =	swait.ge @p0 [sflag:s10], $0x1000  }
0x7c: {  	s24 =	sadd.s32 @p0 $0x200, s19;
	s23 =	sadd.s32 @p0 $0x300, s19;
	[sflag:s10] =	ssyncset.done @p0 $0x0  }
0x7d: {  	s19 =	simm.s32 @p0 $0xC;
	[sflag:s10] =	ssyncadd.s32 @p0 $0xFFFFF000;
	s10 =	simm.s32 @p0 $0x8400  }
0x7e: {  	[tilespmem:s10], [sflag:$0x3] =	stream.indirect.gather @p0 [hbm4b:s4+s22], $0x20, s26, s22, $0xb8;
	[tilespmem:$0xE400] =	vst v63  }
0x7f: {  	s20 =	sadd.s32 s5, s20;
	s26 =	sadd.s32 s5, s21;
	_ =	swait.ge @p0 [sflag:s19], $0x1000  }
0x80: {  	s10 =	sshll.u32 s20, $0x2;
	s21 =	sshll.u32 s26, $0x2;
	[sflag:s19] =	ssyncset.done @p0 $0x0  }
0x81: {  	s26 =	simm.s32 @p0 $0xD;
	[sflag:s19] =	ssyncadd.s32 @p0 $0xFFFFF000;
	s19 =	simm.s32 @p0 $0x9400  }
0x82: {  	[tilespmem:s19], [sflag:$0x4] =	stream.indirect.gather @p0 [hbm4b:s4+s22], $0x20, s25, s22, $0xb8;
	[tilespmem:$0xE400] =	vst v63  }
0x83: {  	s20 =	sand.u32 $0x1FFFF200, s10;
	_ =	swait.ge @p0 [sflag:s26], $0x1000  }
0x84: {  	s10 =	simm.s32 @p0 $0xA400;
	s25 =	sadd.s32 @p1 $0xFFFFFE80, s8;
	[sflag:s26] =	ssyncset.done @p0 $0x0  }
0x85: {  	s19 =	sand.u32 $0x1FFFF400, s21;
	s21 =	simm.s32 @p0 $0xE;
	[sflag:s26] =	ssyncadd.s32 @p0 $0xFFFFF000  }
0x86: {  	[tilespmem:s10], [sflag:$0x5] =	stream.indirect.gather @p0 [hbm4b:s4+s22], $0x20, s24, s22, $0xb8;
	[tilespmem:$0xE400] =	vst v63  }
0x87: {  	s25 =	simm.s32 @!p1 $0x180;
	_ =	swait.ge @p0 [sflag:s21], $0x1000  }
0x88: {  	s11 =	sadd.s32 s5, s25;
	s10 =	sadd.s32 @p1 $0xFFFFFF00, s8;
	[sflag:s21] =	ssyncset.done @p0 $0x0  }
0x89: {  	s24 =	sshll.u32 s11, $0x2;
	[sflag:s21] =	ssyncadd.s32 @p0 $0xFFFFF000;
	s21 =	simm.s32 @p0 $0xB400  }
0x8a: {  	[tilespmem:s21], [sflag:$0x6] =	stream.indirect.gather @p0 [hbm4b:s4+s22], $0x20, s9, s22, $0xb8;
	[tilespmem:$0xE400] =	vst v63  }
0x8b: {  	s25 =	simm.s32 @p0 $0xF;
	s10 =	simm.s32 @!p1 $0x200;
	s21 =	sand.u32 $0x1FFFF600, s24  }
0x8c: {  	s24 =	sadd.s32 s5, s10;
	s10 =	sadd.s32 @p1 $0xFFFFFF80, s8;
	_ =	swait.ge @p0 [sflag:s25], $0x1000  }
0x8d: {  	s9 =	sshll.u32 s24, $0x2;
	s24 =	simm.s32 @p0 $0xC400;
	[sflag:s25] =	ssyncset.done @p0 $0x0  }
0x8e: {  	s10 =	simm.s32 @!p1 $0x280;
	[sflag:s25] =	ssyncadd.s32 @p0 $0xFFFFF000;
	s25 =	simm.s32 @p0 $0x10  }
0x8f: {  	[tilespmem:s24], [sflag:$0x7] =	stream.indirect.gather @p0 [hbm4b:s4+s22], $0x20, s23, s22, $0xb8;
	[tilespmem:$0xE400] =	vst v63  }
0x90: {  	s26 =	sadd.s32 s5, s10;
	s10 =	simm.s32 @!p0 $0x6400;
	_ =	swait.ge @p0 [sflag:s25], $0x1000  }
0x91: {  	s22 =	sand.u32 $0x1FFFF800, s9;
	s24 =	simm.s32 @!p0 $0x80;
	[sflag:s25] =	ssyncset.done @p0 $0x0  }
0x92: {  	s23 =	simm.s32 @!p0 $0x0;
	s9 =	sshll.u32 s26, $0x2;
	[sflag:s25] =	ssyncadd.s32 @p0 $0xFFFFF000  }
0x93: {  	[tilespmem:s10], [sflag:$0x1] =	stream.indirect.gather @!p0 [hbm4b:s4+s24], $0x20, s23, s24, $0xb8;
	[tilespmem:$0xE400] =	vst v63  }
0x94: {  	s25 =	simm.s32 @!p0 $0x8400;
	s10 =	smov.u32 s8;
	s23 =	simm.s32 @!p0 $0x7400  }
0x95: {  	[tilespmem:s23], [sflag:$0x2] =	stream.indirect.gather @!p0 [hbm4b:s4+s24], $0x20, s24, s24, $0xb8;
	[tilespmem:$0xE400] =	vst v63  }
0x96: {  	s10 =	simm.s32 @!p1 $0x300;
	s23 =	sand.u32 $0x1FFFFA00, s9;
	s9 =	simm.s32 @!p0 $0x100  }
0x97: {  	[tilespmem:s25], [sflag:$0x3] =	stream.indirect.gather @!p0 [hbm4b:s4+s24], $0x20, s9, s24, $0xb8;
	[tilespmem:$0xE400] =	vst v63  }
0x98: {  	s11 =	sadd.s32 s5, s10;
	s10 =	simm.s32 @!p0 $0x180;
	s25 =	simm.s32 @!p0 $0x9400  }
0x99: {  	[tilespmem:s25], [sflag:$0x4] =	stream.indirect.gather @!p0 [hbm4b:s4+s24], $0x20, s10, s24, $0xb8;
	[tilespmem:$0xE400] =	vst v63  }
0x9a: {  	s10 =	simm.s32 @!p0 $0x200;
	s25 =	simm.s32 @!p0 $0xA400  }
0x9b: {  	[tilespmem:s25], [sflag:$0x5] =	stream.indirect.gather @!p0 [hbm4b:s4+s24], $0x20, s10, s24, $0xb8;
	[tilespmem:$0xE400] =	vst v63  }
0x9c: {  	s26 =	sshra.s32 s28, $0x2;
	s10 =	simm.s32 @!p0 $0x280;
	s25 =	simm.s32 @!p0 $0xB400  }
0x9d: {  	[tilespmem:s25], [sflag:$0x6] =	stream.indirect.gather @!p0 [hbm4b:s4+s24], $0x20, s10, s24, $0xb8;
	[tilespmem:$0xE400] =	vst v63  }
0x9e: {  	s26 =	sadd.s32 $0x380, s26;
	s10 =	simm.s32 @!p0 $0x300;
	s25 =	simm.s32 @!p0 $0xC400  }
0x9f: {  	[tilespmem:s25], [sflag:$0x7] =	stream.indirect.gather @!p0 [hbm4b:s4+s24], $0x20, s10, s24, $0xb8;
	[tilespmem:$0xE400] =	vst v63  }
0xa0: {  	s9 =	sshll.u32 s11, $0x2;
	s11 =	rddreg [dreg:$0x5];
	s10 =	simm.s32 $0x1  }
0xa1: {  	[tilespmem:s12], [sflag:$0x8] =	stream.indirect.gather [hbm4b:s4+s11], $0x20, s26, s11, $0xb8;
	[tilespmem:$0xE400] =	vst v63  }
0xa2: {  	_ =	swait.ge [sflag:s10], $0x1000  }
0xa3: {  	s25 =	rddreg [dreg:$0x3]  }
0xa4: {  	s24 =	sand.u32 $0x1FFFFC00, s9;
	s26 =	rddreg [dreg:$0x6];
	[sflag:s10] =	ssyncset.done $0x0  }
0xa5: {  	[sflag:s10] =	ssyncadd.s32 $0xFFFFF000;
	s9 =	sadd.s32 s28, s25;
	s25 =	simm.s32 $0x2  }
0xa6: {  	[hbm4b:s9+s3] =	stream.linear.scatter [tilespmem:s26], [sflag:$0x9], $0x1000, $0x38;
	[tilespmem:$0xE400] =	vst v63  }
0xa7: {  	_ =	swait.ge [sflag:s25], $0x1000  }
0xa8: {  	s11 =	sadd.s32 s2, s30;
	s30 =	smov.u32 s20;
	[sflag:s25] =	ssyncset.done $0x0  }
0xa9: {  	s20 =	simm.s32 $0x3;
	s26 =	rddreg [dreg:$0x7];
	[sflag:s25] =	ssyncadd.s32 $0xFFFFF000  }
0xaa: {  	[hbm4b:s11+s3] =	stream.linear.scatter [tilespmem:s26], [sflag:$0xA], $0x1000, $0x38;
	[tilespmem:$0xE400] =	vst v63  }
0xab: {  	_ =	swait.ge [sflag:s20], $0x1000  }
0xac: {  	[sflag:s20] =	ssyncset.done $0x0  }
0xad: {  	s26 =	sadd.s32 s2, s29;
	s25 =	rddreg [dreg:$0x8];
	[sflag:s20] =	ssyncadd.s32 $0xFFFFF000  }
0xae: {  	[hbm4b:s26+s3] =	stream.linear.scatter [tilespmem:s25], [sflag:$0xB], $0x1000, $0x38;
	[tilespmem:$0xE400] =	vst v63  }
0xaf: {  	_ =	swait.ge [sflag:s13], $0x1000  }
0xb0: {  	[sflag:s13] =	ssyncset.done $0x0  }
0xb1: {  	s11 =	sadd.s32 s2, s31;
	s10 =	rddreg [dreg:$0x9];
	[sflag:s13] =	ssyncadd.s32 $0xFFFFF000  }
0xb2: {  	[hbm4b:s11+s3] =	stream.linear.scatter [tilespmem:s10], [sflag:$0xC], $0x1000, $0x38;
	[tilespmem:$0xE400] =	vst v63  }
0xb3: {  	_ =	swait.ge [sflag:s14], $0x1000  }
0xb4: {  	s29 =	smov.u32 s19;
	[sflag:s14] =	ssyncset.done $0x0  }
0xb5: {  	s20 =	sadd.s32 s2, s6;
	s19 =	rddreg [dreg:$0xa];
	[sflag:s14] =	ssyncadd.s32 $0xFFFFF000  }
0xb6: {  	[hbm4b:s20+s3] =	stream.linear.scatter [tilespmem:s19], [sflag:$0xD], $0x1000, $0x38;
	[tilespmem:$0xE400] =	vst v63  }
0xb7: {  	s7 =	sadd.s32 $0x1000, s7;
	_ =	swait.ge [sflag:s15], $0x1000  }
0xb8: {  	s31 =	smov.u32 s21;
	s6 =	smov.u32 s22;
	[sflag:s15] =	ssyncset.done $0x0  }
0xb9: {  	s22 =	sadd.s32 s2, s0;
	s21 =	rddreg [dreg:$0xb];
	[sflag:s15] =	ssyncadd.s32 $0xFFFFF000  }
0xba: {  	[hbm4b:s22+s3] =	stream.linear.scatter [tilespmem:s21], [sflag:$0xE], $0x1000, $0x38;
	[tilespmem:$0xE400] =	vst v63  }
0xbb: {  	p2 =	sne.s32 s7, $0x19000;
	_ =	swait.ge [sflag:s16], $0x1000  }
0xbc: {  	s0 =	smov.u32 s23;
	s25 =	sadd.s32 s2, s1;
	[sflag:s16] =	ssyncset.done $0x0  }
.Ltmp0:
0xbd: {  	s23 =	rddreg [dreg:$0xc];
	[sflag:s16] =	ssyncadd.s32 $0xFFFFF000;
	(pc) =	sbr.rel @p2 .LBB2_2-.Ltmp0, $4  }
0xbe: {  	[hbm4b:s25+s3] =	stream.linear.scatter [tilespmem:s23], [sflag:$0xF], $0x1000, $0x38;
	[tilespmem:$0xE400] =	vst v63  }
0xbf: {  	s8 =	sadd.s32 $0x400, s8;
	p0 =	por p1, p1;
	_ =	swait.ge [sflag:s17], $0x1000  }
0xc0: {  	s1 =	smov.u32 s24;
	[sflag:s17] =	ssyncset.done $0x0;
	s26 =	rddreg [dreg:$0x4]  }
0xc1: {  	[sflag:s17] =	ssyncadd.s32 $0xFFFFF000;
	s19 =	sadd.s32 s28, s26;
	s28 =	smov.u32 s18  }
0xc2: {  	s11 =	simm.s32 $0xD400;
	s7 =	simm.s32 @p0 $0x9  }
0xc3: {  	[hbm4b:s19+s3] =	stream.linear.scatter [tilespmem:s11], [sflag:$0x10], $0x1000, $0x38;
	[tilespmem:$0xE400] =	vst v63  }
0xc4: {  	_ =	swait.ge @p0 [sflag:s7], $0x1000  }
0xc5: {  	s8 =	simm.s32 @p0 $0x6400;
	s9 =	simm.s32 @p0 $0xA;
	[sflag:s7] =	ssyncset.done @p0 $0x0  }
0xc6: {  	s10 =	simm.s32 @p0 $0x80;
	[sflag:s7] =	ssyncadd.s32 @p0 $0xFFFFF000;
	s7 =	sshra.s32 @p0 s28, $0x2  }
0xc7: {  	[tilespmem:s8], [sflag:$0x1] =	stream.indirect.gather @p0 [hbm4b:s4+s10], $0x20, s7, s10, $0xb8;
	[tilespmem:$0xE400] =	vst v63  }
0xc8: {  	_ =	swait.ge @p0 [sflag:s9], $0x1000  }
0xc9: {  	[sflag:s9] =	ssyncset.done @p0 $0x0  }
0xca: {  	s8 =	sadd.s32 @p0 $0x80, s7;
	[sflag:s9] =	ssyncadd.s32 @p0 $0xFFFFF000;
	s9 =	simm.s32 @p0 $0x7400  }
0xcb: {  	[tilespmem:s9], [sflag:$0x2] =	stream.indirect.gather @p0 [hbm4b:s4+s10], $0x20, s8, s10, $0xb8;
	[tilespmem:$0xE400] =	vst v63  }
0xcc: {  	s8 =	simm.s32 @p0 $0xB  }
0xcd: {  	_ =	swait.ge @p0 [sflag:s8], $0x1000  }
0xce: {  	[sflag:s8] =	ssyncset.done @p0 $0x0  }
0xcf: {  	s9 =	sadd.s32 @p0 $0x100, s7;
	[sflag:s8] =	ssyncadd.s32 @p0 $0xFFFFF000;
	s8 =	simm.s32 @p0 $0x8400  }
0xd0: {  	[tilespmem:s8], [sflag:$0x3] =	stream.indirect.gather @p0 [hbm4b:s4+s10], $0x20, s9, s10, $0xb8;
	[tilespmem:$0xE400] =	vst v63  }
0xd1: {  	s8 =	simm.s32 @p0 $0xC  }
0xd2: {  	_ =	swait.ge @p0 [sflag:s8], $0x1000  }
0xd3: {  	[sflag:s8] =	ssyncset.done @p0 $0x0  }
0xd4: {  	s9 =	sadd.s32 @p0 $0x180, s7;
	[sflag:s8] =	ssyncadd.s32 @p0 $0xFFFFF000;
	s8 =	simm.s32 @p0 $0x9400  }
0xd5: {  	[tilespmem:s8], [sflag:$0x4] =	stream.indirect.gather @p0 [hbm4b:s4+s10], $0x20, s9, s10, $0xb8;
	[tilespmem:$0xE400] =	vst v63  }
0xd6: {  	s8 =	simm.s32 @p0 $0xD  }
0xd7: {  	_ =	swait.ge @p0 [sflag:s8], $0x1000  }
0xd8: {  	[sflag:s8] =	ssyncset.done @p0 $0x0  }
0xd9: {  	s9 =	sadd.s32 @p0 $0x200, s7;
	[sflag:s8] =	ssyncadd.s32 @p0 $0xFFFFF000;
	s8 =	simm.s32 @p0 $0xA400  }
0xda: {  	[tilespmem:s8], [sflag:$0x5] =	stream.indirect.gather @p0 [hbm4b:s4+s10], $0x20, s9, s10, $0xb8;
	[tilespmem:$0xE400] =	vst v63  }
0xdb: {  	s8 =	simm.s32 @p0 $0xE  }
0xdc: {  	_ =	swait.ge @p0 [sflag:s8], $0x1000  }
0xdd: {  	[sflag:s8] =	ssyncset.done @p0 $0x0  }
0xde: {  	s9 =	sadd.s32 @p0 $0x280, s7;
	[sflag:s8] =	ssyncadd.s32 @p0 $0xFFFFF000;
	s8 =	simm.s32 @p0 $0xB400  }
0xdf: {  	[tilespmem:s8], [sflag:$0x6] =	stream.indirect.gather @p0 [hbm4b:s4+s10], $0x20, s9, s10, $0xb8;
	[tilespmem:$0xE400] =	vst v63  }
0xe0: {  	s8 =	simm.s32 @p0 $0xF  }
0xe1: {  	_ =	swait.ge @p0 [sflag:s8], $0x1000  }
0xe2: {  	[sflag:s8] =	ssyncset.done @p0 $0x0  }
0xe3: {  	s7 =	sadd.s32 @p0 $0x300, s7;
	[sflag:s8] =	ssyncadd.s32 @p0 $0xFFFFF000;
	s8 =	simm.s32 @p0 $0xC400  }
0xe4: {  	[tilespmem:s8], [sflag:$0x7] =	stream.indirect.gather @p0 [hbm4b:s4+s10], $0x20, s7, s10, $0xb8;
	[tilespmem:$0xE400] =	vst v63  }
0xe5: {  	s7 =	simm.s32 @p0 $0x10  }
0xe6: {  	_ =	swait.ge @p0 [sflag:s7], $0x1000  }
0xe7: {  	s9 =	simm.s32 @!p0 $0x0;
	[sflag:s7] =	ssyncset.done @p0 $0x0  }
0xe8: {  	s8 =	simm.s32 @!p0 $0x6400;
	[sflag:s7] =	ssyncadd.s32 @p0 $0xFFFFF000;
	s7 =	simm.s32 @!p0 $0x80  }
0xe9: {  	[tilespmem:s8], [sflag:$0x1] =	stream.indirect.gather @!p0 [hbm4b:s4+s7], $0x20, s9, s7, $0xb8;
	[tilespmem:$0xE400] =	vst v63  }
0xea: {  	s8 =	simm.s32 @!p0 $0x7400  }
0xeb: {  	[tilespmem:s8], [sflag:$0x2] =	stream.indirect.gather @!p0 [hbm4b:s4+s7], $0x20, s7, s7, $0xb8;
	[tilespmem:$0xE400] =	vst v63  }
0xec: {  	s9 =	simm.s32 @!p0 $0x8400;
	s8 =	simm.s32 @!p0 $0x100  }
0xed: {  	[tilespmem:s9], [sflag:$0x3] =	stream.indirect.gather @!p0 [hbm4b:s4+s7], $0x20, s8, s7, $0xb8;
	[tilespmem:$0xE400] =	vst v63  }
0xee: {  	s8 =	simm.s32 @!p0 $0x180;
	s9 =	simm.s32 @!p0 $0x9400  }
0xef: {  	[tilespmem:s9], [sflag:$0x4] =	stream.indirect.gather @!p0 [hbm4b:s4+s7], $0x20, s8, s7, $0xb8;
	[tilespmem:$0xE400] =	vst v63  }
0xf0: {  	s8 =	simm.s32 @!p0 $0x200;
	s9 =	simm.s32 @!p0 $0xA400  }
0xf1: {  	[tilespmem:s9], [sflag:$0x5] =	stream.indirect.gather @!p0 [hbm4b:s4+s7], $0x20, s8, s7, $0xb8;
	[tilespmem:$0xE400] =	vst v63  }
0xf2: {  	s8 =	simm.s32 @!p0 $0x280;
	s9 =	simm.s32 @!p0 $0xB400  }
0xf3: {  	[tilespmem:s9], [sflag:$0x6] =	stream.indirect.gather @!p0 [hbm4b:s4+s7], $0x20, s8, s7, $0xb8;
	[tilespmem:$0xE400] =	vst v63  }
0xf4: {  	s18 =	sshra.s32 s28, $0x2;
	s8 =	simm.s32 @!p0 $0x300;
	s9 =	simm.s32 @!p0 $0xC400  }
0xf5: {  	[tilespmem:s9], [sflag:$0x7] =	stream.indirect.gather @!p0 [hbm4b:s4+s7], $0x20, s8, s7, $0xb8;
	[tilespmem:$0xE400] =	vst v63  }
0xf6: {  	s19 =	simm.s32 $0x1;
	s10 =	rddreg [dreg:$0x5];
	s8 =	sadd.s32 $0x380, s18  }
0xf7: {  	[tilespmem:s11], [sflag:$0x8] =	stream.indirect.gather [hbm4b:s4+s10], $0x20, s8, s10, $0xb8;
	[tilespmem:$0xE400] =	vst v63  }
0xf8: {  	_ =	swait.ge [sflag:s19], $0x1000  }
0xf9: {  	s22 =	simm.s32 $0x2;
	s20 =	rddreg [dreg:$0x3];
	[sflag:s19] =	ssyncset.done $0x0  }
0xfa: {  	s21 =	rddreg [dreg:$0x6];
	[sflag:s19] =	ssyncadd.s32 $0xFFFFF000;
	s7 =	sadd.s32 s28, s20  }
0xfb: {  	[hbm4b:s7+s3] =	stream.linear.scatter [tilespmem:s21], [sflag:$0x9], $0x1000, $0x38;
	[tilespmem:$0xE400] =	vst v63  }
0xfc: {  	_ =	swait.ge [sflag:s22], $0x1000  }
0xfd: {  	s24 =	sadd.s32 s2, s30;
	[sflag:s22] =	ssyncset.done $0x0  }
0xfe: {  	s25 =	simm.s32 $0x3;
	s23 =	rddreg [dreg:$0x7];
	[sflag:s22] =	ssyncadd.s32 $0xFFFFF000  }
0xff: {  	[hbm4b:s24+s3] =	stream.linear.scatter [tilespmem:s23], [sflag:$0xA], $0x1000, $0x38;
	[tilespmem:$0xE400] =	vst v63  }
0x100: {  	_ =	swait.ge [sflag:s25], $0x1000  }
0x101: {  	[sflag:s25] =	ssyncset.done $0x0  }
0x102: {  	s30 =	sadd.s32 s2, s29;
	s26 =	rddreg [dreg:$0x8];
	[sflag:s25] =	ssyncadd.s32 $0xFFFFF000  }
0x103: {  	[hbm4b:s30+s3] =	stream.linear.scatter [tilespmem:s26], [sflag:$0xB], $0x1000, $0x38;
	[tilespmem:$0xE400] =	vst v63  }
0x104: {  	_ =	swait.ge [sflag:s13], $0x1000  }
0x105: {  	[sflag:s13] =	ssyncset.done $0x0  }
0x106: {  	s9 =	sadd.s32 s2, s31;
	s8 =	rddreg [dreg:$0x9];
	[sflag:s13] =	ssyncadd.s32 $0xFFFFF000  }
0x107: {  	[hbm4b:s9+s3] =	stream.linear.scatter [tilespmem:s8], [sflag:$0xC], $0x1000, $0x38;
	[tilespmem:$0xE400] =	vst v63  }
0x108: {  	_ =	swait.ge [sflag:s14], $0x1000  }
0x109: {  	[sflag:s14] =	ssyncset.done $0x0  }
0x10a: {  	s6 =	sadd.s32 s2, s6;
	s10 =	rddreg [dreg:$0xa];
	[sflag:s14] =	ssyncadd.s32 $0xFFFFF000  }
0x10b: {  	[hbm4b:s6+s3] =	stream.linear.scatter [tilespmem:s10], [sflag:$0xD], $0x1000, $0x38;
	[tilespmem:$0xE400] =	vst v63  }
0x10c: {  	_ =	swait.ge [sflag:s15], $0x1000  }
0x10d: {  	[sflag:s15] =	ssyncset.done $0x0  }
0x10e: {  	s0 =	sadd.s32 s2, s0;
	s18 =	rddreg [dreg:$0xb];
	[sflag:s15] =	ssyncadd.s32 $0xFFFFF000  }
0x10f: {  	[hbm4b:s0+s3] =	stream.linear.scatter [tilespmem:s18], [sflag:$0xE], $0x1000, $0x38;
	[tilespmem:$0xE400] =	vst v63  }
0x110: {  	_ =	swait.ge [sflag:s16], $0x1000  }
0x111: {  	[sflag:s16] =	ssyncset.done $0x0  }
0x112: {  	s1 =	sadd.s32 s2, s1;
	s19 =	rddreg [dreg:$0xc];
	[sflag:s16] =	ssyncadd.s32 $0xFFFFF000  }
0x113: {  	[hbm4b:s1+s3] =	stream.linear.scatter [tilespmem:s19], [sflag:$0xF], $0x1000, $0x38;
	[tilespmem:$0xE400] =	vst v63  }
0x114: {  	_ =	swait.ge [sflag:s17], $0x1000  }
0x115: {  	s20 =	rddreg [dreg:$0x4];
	[sflag:s17] =	ssyncset.done $0x0  }
0x116: {  	s21 =	simm.s32 $0x9;
	s0 =	sadd.s32 s28, s20;
	[sflag:s17] =	ssyncadd.s32 $0xFFFFF000  }
0x117: {  	[hbm4b:s0+s3] =	stream.linear.scatter [tilespmem:s11], [sflag:$0x10], $0x1000, $0x38;
	[tilespmem:$0xE400] =	vst v63  }
0x118: {  	_ =	swait.ge [sflag:s21], $0x1000  }
0x119: {  	[sflag:s21] =	ssyncset.done $0x0  }
0x11a: {  	s22 =	simm.s32 $0xA;
	[sflag:s21] =	ssyncadd.s32 $0xFFFFF000  }
0x11b: {  	_ =	swait.ge [sflag:s22], $0x1000  }
0x11c: {  	[sflag:s22] =	ssyncset.done $0x0  }
0x11d: {  	s23 =	simm.s32 $0xB;
	[sflag:s22] =	ssyncadd.s32 $0xFFFFF000  }
0x11e: {  	_ =	swait.ge [sflag:s23], $0x1000  }
0x11f: {  	[sflag:s23] =	ssyncset.done $0x0  }
0x120: {  	s24 =	simm.s32 $0xC;
	[sflag:s23] =	ssyncadd.s32 $0xFFFFF000  }
0x121: {  	_ =	swait.ge [sflag:s24], $0x1000  }
0x122: {  	[sflag:s24] =	ssyncset.done $0x0  }
0x123: {  	s25 =	simm.s32 $0xD;
	[sflag:s24] =	ssyncadd.s32 $0xFFFFF000  }
0x124: {  	_ =	swait.ge [sflag:s25], $0x1000  }
0x125: {  	[sflag:s25] =	ssyncset.done $0x0  }
0x126: {  	s26 =	simm.s32 $0xE;
	[sflag:s25] =	ssyncadd.s32 $0xFFFFF000  }
0x127: {  	_ =	swait.ge [sflag:s26], $0x1000  }
0x128: {  	[sflag:s26] =	ssyncset.done $0x0  }
0x129: {  	s28 =	simm.s32 $0xF;
	[sflag:s26] =	ssyncadd.s32 $0xFFFFF000  }
0x12a: {  	_ =	swait.ge [sflag:s28], $0x1000  }
0x12b: {  	[sflag:s28] =	ssyncset.done $0x0  }
0x12c: {  	s29 =	simm.s32 $0x10;
	[sflag:s28] =	ssyncadd.s32 $0xFFFFF000  }
0x12d: {  	_ =	swait.ge [sflag:s29], $0x1000  }
0x12e: {  	s30 =	rddreg [dreg:$0xf]  }
0x12f: {  	s31 =	rddreg [dreg:$0xe];
	s6 =	sadd.s32 $0x1, s30  }
0x130: {  	p0 =	sne.s32 s6, s31  }
.Ltmp1:
0x131: {  	_ = 	snop;
	(pc) =	sbr.rel @p0 .LBB2_1-.Ltmp1, $3  }
0x132: {  	_ =	sdelay $0x1  }
0x133: {  	[sflag:s29] =	ssyncset.done $0x0  }
0x134: {  	s9 =	simm.s32 $0xD400;
	[sflag:s29] =	ssyncadd.s32 $0xFFFFF000  }
0x135: {  	_ =	sfence.sel $0x180000  }
0x136: {  	[bflag:$0x0] =	sbarrier.arrive $0xFFFF  }
0x137: {  	_ =	strace $0x90000047  }
0x138: {  	s0 =	stileid.u32;
	[bflag:$0x2] =	sbarrier.arrive $0xFFFF  }
0x139: {  	p0 =	sne.s32 s0, $0x0;
	s0 =	rddreg [dreg:$0x2]  }
0x13a: {  	s0 =	sadd.s32 @!p0 $0x100000, s0  }
0x13b: {  	[sflag:s0] =	ssyncadd.tile.s32 @!p0 $0x1;
	_ =	shalt  }
.Lfunc_end2:
_tile_overlayer_lowered:
.L_overlay_start_2:
0x13c: {  	(tag) =	ssettag $0x2  }
0x13d: {  	s0 =	rddreg [dreg:$0x0];
	s2 =	stileid.u32  }
0x13e: {  	s1 =	rddreg [dreg:$0x1];
	p0 =	sne.s32 s2, $0x0  }
0x13f: {  	s3 =	rddreg [dreg:$0x2];
	[bflag:$0x3] =	sbarrier.arrive $0xFFFF;
	s2 =	simm.s32 @!p0 $0x1C11  }
0x140: {  	[timem:s3], [sflag:s2] =	dma.local @!p0 [hbm:s0], s1  }
0x141: {  	s0 =	simm.s32 @!p0 $0x11  }
0x142: {  	_ =	swait.ge @!p0 [sflag:s0], s1  }
0x143: {  	s1 =	ssub.s32 @!p0 $0x0, s1;
	[sflag:s0] =	ssyncset.done @!p0 $0x0  }
0x144: {  	[sflag:s0] =	ssyncadd.s32 @!p0 s1  }
0x145: {  	[bflag:$0x3] =	sbarrier.arrive $0xFFFF  }
0x146: {  	_ =	shalt  }

// kernel: sparse-core-data-format-call.1.cloned.1.call-start
scs
called_computation.1_lowered:
.L_overlay_start_0:
0x0: {  	s2 =	sld [smem:$0x3FD9]  }
0x1: {  	s3 =	sld [smem:$0x3FFE];
	_ =	sdelay $0x1  }
0x2: {  	s1 =	srdreg.scid  }
0x3: {  	s0 =	sand.u32 $0x1, s1  }
0x4: {  	s18 =	sshll.u32 s0, $0xA;
	s2 =	sadd.s32 s3, s2  }
0x5: {  	s2 =	sadd.s32 s2, s18  }
0x6: {  	[smem:$0x3FC6] =	sst s2  }
0x7: {  	_ = 	snop  }
0x8: {  	s2 =	sld [smem:$0x3FD0];
	(tm) =	ssettm $0x1  }
0x9: {  	s19 =	sld [smem:$0x3FFB];
	_ =	sdelay $0x3  }
0xa: {  	_ =	strace s19  }
0xb: {  	s3 =	sld [smem:$0x3FFC];
	_ =	sdelay $0x3  }
0xc: {  	_ =	strace s3  }
0xd: {  	s3 =	sld [smem:$0x3FFD];
	_ =	sdelay $0x3  }
0xe: {  	_ =	strace s3  }
0xf: {  	_ =	strace $0x8FFFFFFF  }
0x10: {  	s20 =	sld [smem:$0x3FDB];
	_ =	sdelay $0x1  }
0x11: {  	s4 =	simm.s32 $_scs_section_size  }
0x12: {  	s5 =	simm.s32 $_size__tile_overlayer_lowered;
	s6 =	simm.s32 $_tile_overlayer_lowered  }
0x13: {  	s23 =	simm.s32 $0x1BFF;
	s22 =	sshll.u32 s6, $0x1;
	s3 =	sadd.s32 s4, s20  }
0x14: {  	s7 =	simm.s32 $0x0;
	s21 =	sshll.u32 s5, $0x1;
	s5 =	sadd.s32 s22, s3  }
0x15: {  	[timem:s7], [sflag:s23] =	dma.local [hbm:s5], s21  }
0x16: {  	_ =	swait.ge [sflag:s23], s21  }
0x17: {  	s4 =	ssub.s32 $0x0, s21;
	[sflag:s23] =	ssyncset.done $0x0  }
0x18: {  	[sflag:s23] =	ssyncadd.s32 s4;
	_ =	sdelay $0x1  }
0x19: {  	s24 =	simm.s32 $0x1B8B  }
0x1a: {  	_ =	swait.ge [sflag:s24], $0x1  }
0x1b: {  	[sflag:s24] =	ssyncset.done $0x0  }
0x1c: {  	s26 =	simm.s32 $0x1B8E;
	s25 =	sld [smem:$0x3FFE];
	[sflag:s24] =	ssyncadd.s32 $0xFFFFFFFF  }
0x1d: {  	s27 =	simm.s32 $execute0_lowered;
	[smem:$0x3FD2] =	sst s26  }
0x1e: {  	s5 =	sshll.u32 s27, $0x1;
	_ =	strace $0x80000049;
	[dreg:$0x1] =	wrdreg $0xFFFFFFFF  }
0x1f: {  	s28 =	simm.s32 $_size_execute0_lowered;
	s3 =	sadd.s32 s3, s5;
	[dreg:$0x0] =	wrdreg $0x0  }
0x20: {  	s5 =	sshll.u32 s28, $0x1;
	[dreg:$0x2] =	wrdreg s3  }
0x21: {  	[dreg:$0x3] =	wrdreg s5  }
0x22: {  	[dreg:$0x4] =	wrdreg $0xC0  }
0x23: {  	_ =	task [dreg:s7], $0x5FFFF  }
0x24: {  	[dreg:$0x1] =	wrdreg $0xFFFFFFFF  }
0x25: {  	[dreg:$0x0] =	wrdreg $0x60  }
0x26: {  	[dreg:$0x2] =	wrdreg s25  }
0x27: {  	[dreg:$0x3] =	wrdreg s2  }
0x28: {  	[dreg:$0x4] =	wrdreg $0x9  }
0x29: {  	_ =	task.clear_ibuf [dreg:s7], $0x5FFFF;
	_ =	strace $0x90000049  }
0x2a: {  	s29 =	simm.s32 $0x9;
	_ =	strace $0x8000004B  }
0x2b: {  	_ =	swait.ge [sflag:s29], $0x1  }
0x2c: {  	[sflag:s29] =	ssyncadd.s32 $0xFFFFFFFF  }
0x2d: {  	_ =	strace $0x9000004B  }
0x2e: {  	_ =	sfence  }
0x2f: {  	s30 =	sld [smem:$0x0];
	_ =	sdelay $0x2  }
0x30: {  	s31 =	sshll.u32 s1, $0xD;
	s1 =	sshrl.u32 s1, $0x2  }
0x31: {  	s3 =	sand.u32 $0x4000, s31;
	s1 =	sadd.s32 s1, s30  }
0x32: {  	s0 =	sor.u32 s3, s0;
	s1 =	sshll.u32 s1, $0x11  }
0x33: {  	s0 =	sor.u32 s1, s0  }
0x34: {  	s0 =	sadd.s32 $0x8F2B, s0  }
0x35: {  	[sflag:s0] =	ssyncadd.remote.s32 $0x1  }
0x36: {  	_ =	sfence.sel $0xFFFF  }
0x37: {  	[dreg:$0x0] =	wrdreg $0xFFFFFFFF;
	(pc) =	sbr.abs _section_cstart, $3  }
0x38: {  	[dreg:$0x1] =	wrdreg $0xFFFFFFFF  }
0x39: {  	_ =	task.clear_ibuf [dreg:s7], $0x2FFFF;
	_ =	strace $0x9FFFFFFF  }
0x3a: {  	(tm) =	ssettm $0x7FFFFFFF  }
0x3b: {  	_ =	shalt  }
tec
execute0_lowered:
.L_overlay_start_1:
0x0: {  	(tag) =	ssettag $0x1  }
0x1: {  	s0 =	srdreg.scid  }
0x2: {  	s1 =	sshll.u32 s0, $0x4  }
0x3: {  	s4 =	rddreg [dreg:$0x0];
	s0 =	stileid.u32;
	s1 =	sand.u32 $0x10, s1  }
0x4: {  	s2 =	rddreg [dreg:$0x1];
	s7 =	simm.s32 $0x1;
	s1 =	sor.u32 s0, s1  }
0x5: {  	s8 =	simm.s32 $0x2;
	s11 =	simm.s32 $0x0;
	s3 =	sshll.u32 s1, $0x7  }
0x6: {  	s10 =	simm.s32 $0x0;
	s4 =	sadd.s32 $0xE00, s4;
	s6 =	ssub.s32 $0xC8000, s3  }
.Ltmp0:
0x7: {  	s1 =	rddreg [dreg:$0x2];
	s5 =	sand.u32 $0xF80, s6;
	(pc) =	sbr.rel .LBB1_1-.Ltmp0, $4  }
0x8: {  	_ =	strace $0x8000004A;
	s9 =	smov.u32 s3;
	p0 =	sne.s32 s5, $0x0  }
0x9: {  	s6 =	sshrl.u32 s6, $0xC;
	s5 =	simm.s32 $0x1;
	s7 =	simm.s32 @!p0 $0x0  }
0xa: {  	[sflag:s5] =	ssyncpa.u1 $0x0;
	p0 =	por $0x0, $0x0;
	s6 =	sadd.s32 s7, s6  }
0xb: {  	[sflag:s8] =	ssyncpa.u1 $0x0;
	s8 =	simm.s32 $0x640000;
	s7 =	sadd.s32 $0x1, s6  }
.LBB1_4:
0xc: {  	s14 =	sshll.u32 s11, $0x3  }
0xd: {  	s30 =	sand.u32 $0x7F, s11;
	s15 =	sand.u32 $0xFFFFFC00, s14  }
0xe: {  	s11 =	sor.u32 s30, s15  }
0xf: {  	s15 =	smulhi.u32 $0x51EB851F, s11  }
0x10: {  	s14 =	smulhi.u32 $0x51EB851F, s14  }
0x11: {  	s15 =	sshrl.u32 s15, $0x12  }
0x12: {  	s14 =	sshrl.u32 s14, $0x12;
	s15 =	smul.u32 $0xC8000, s15  }
0x13: {  	s14 =	sand.u32 $0x1F, s14  }
0x14: {  	s14 =	smul.u32 $0x19000, s14;
	s11 =	ssub.s32 s11, s15  }
0x15: {  	s15 =	sand.u32 $0x7, s11  }
0x16: {  	s14 =	sadd.s32 s2, s14;
	s11 =	sshrl.u32 s11, $0x3;
	s15 =	sshll.u32 s15, $0x12  }
0x17: {  	[tilespmem:s13+$0x0 ss:$0x81] =	vst.msk $0xffff, v0;
	s11 =	sadd.s32 s11, s14;
	s31 =	sor.u32 $0x400, s15  }
0x18: {  	[hbm4b:s11+s31] =	stream.strided.scatter [tilespmem:s12], [sflag:$0x2], $0x1000, s8, s31, $0x20;
	[tilespmem:$0x4040] =	vst v63  }
.LBB1_5:
0x19: {  	s13 =	sadd.s32 $0x1000, s9  }
0x1a: {  	p2 =	sgt.s32 s13, $0xC7FFF  }
0x1b: {  	s13 =	smov.u32 @p2 s3;
	p2 =	sne.s32 s10, s7  }
.Ltmp1:
0x1c: {  	p1 =	slt.u32 s10, $0x2;
	(pc) =	sbr.rel @!p2 .LBB1_6-.Ltmp1, $4  }
0x1d: {  	s12 =	simm.s32 @!p1 $0x2  }
0x1e: {  	s14 =	sadd.s32 $0x1, s10;
	_ =	swait.ge @!p1 [sflag:s12], $0x1000  }
0x1f: {  	s11 =	smov.u32 s9;
	p0 =	por !p0, !p0;
	[sflag:s12] =	ssyncset.done @!p1 $0x0  }
0x20: {  	s10 =	smov.u32 s14;
	s9 =	smov.u32 s13;
	[sflag:s12] =	ssyncadd.s32 @!p1 $0xFFFFF000  }
.LBB1_1:
0x21: {  	p1 =	sge.u32 s10, s6  }
0x22: {  	s12 =	sand.u32 @!p1 $0x1FFFFFF, s9  }
0x23: {  	s13 =	smulhi.u32 @!p1 $0x147AE15, s12;
	_ =	sdelay $0x1  }
0x24: {  	s13 =	sshrl.u32 @!p1 s13, $0xC  }
0x25: {  	s13 =	smul.u32 @!p1 $0xC8000, s13;
	_ =	sdelay $0x1  }
0x26: {  	s31 =	sadd.s32 $0xFFFFFFFF, s10;
	s14 =	sxor.u32 @!p1 $0xFFFFFFFF, s10;
	s12 =	ssub.s32 @!p1 s12, s13  }
0x27: {  	s15 =	simm.s32 @!p1 $0x80;
	s14 =	sshll.u32 @!p1 s14, $0xC;
	s12 =	sshll.u32 @!p1 s12, $0x4  }
0x28: {  	s13 =	sand.u32 @!p1 $0x1000, s14;
	s14 =	simm.s32 @!p1 $0x20;
	s12 =	sadd.s32 @!p1 s4, s12  }
0x29: {  	[tilespmem:s13], [sflag:$0x1] =	stream.strided.gather @!p1 [hbm4b:s12+s14], $0x1000, s15, s14, $0x38;
	[tilespmem:$0x4040] =	vst v63  }
0x2a: {  	p1 =	sge.u32 s31, s6  }
.Ltmp2:
0x2b: {  	_ = 	snop;
	(pc) =	sbr.rel @p1 .LBB1_5-.Ltmp2, $1  }
0x2c: {  	_ =	sdelay $0x3  }
0x2d: {  	s12 =	simm.s32 $0x1  }
0x2e: {  	_ =	swait.ge [sflag:s5], $0x1000;
	s12 =	simm.s32 @!p0 $0x0  }
0x2f: {  	[sflag:s5] =	ssyncset.done $0x0;
	s13 =	sshll.u32 s12, $0xC  }
0x30: {  	[sflag:s5] =	ssyncadd.s32 $0xFFFFF000;
	s16 =	sor.u32 $0x10, s13  }
0x31: {  	s12 =	smul.u32 $0x4080, s12;
	v1 =	vld [tilespmem:s16+$0x0]  }
0x32: {  	s30 =	sand.u32 $0x1, s10;
	v0 =	vld [tilespmem:s16+$0xFFFFFFF0]  }
0x33: {  	s13 =	smul.u32 $0x4080, s30;
	s12 =	sshrl.u32 s12, $0x2  }
0x34: {  	s14 =	sor.u32 $0x2000, s12  }
0x35: {  	s31 =	sshrl.u32 s13, $0x2;
	s13 =	sadd.s32 $0x0, s14  }
0x36: {  	s15 =	simm.s32 $0x4;
	s16 =	sadd.s32 $0x20, s16;
	s12 =	sor.u32 $0x2000, s31;
	[tilespmem:s13+$0x810 ss:$0x81] =	vst.msk $0xffff, v1  }
.LBB1_3:
0x37: {  	v1 =	vld [tilespmem:s16+$0x0];
	p1 =	sne.s32 s15, $0x1FC;
	[tilespmem:s13+$0x0 ss:$0x81] =	vst.msk $0xffff, v0;
	s13 =	smov.u32 s15;
	s15 =	sadd.s32 $0x4, s15  }
.Ltmp3:
0x38: {  	v0 =	vld [tilespmem:s16+$0xFFFFFFF0];
	(pc) =	sbr.rel @p1 .LBB1_3-.Ltmp3, $4  }
0x39: {  	_ = 	snop  }
0x3a: {  	s13 =	sshra.s32 s13, $0x2  }
0x3b: {  	s13 =	sadd.s32 s13, s14  }
0x3c: {  	s16 =	sadd.s32 $0x20, s16;
	[tilespmem:s13+$0x810 ss:$0x81] =	vst.msk $0xffff, v1  }
.Ltmp4:
0x3d: {  	_ = 	snop;
	(pc) =	sbr.rel .LBB1_4-.Ltmp4, $1  }
0x3e: {  	_ =	sdelay $0x3  }
.LBB1_6:
0x3f: {  	_ =	sfence.sel $0x180000  }
0x40: {  	s2 =	simm.s32 $0x1;
	[bflag:$0x0] =	sbarrier.arrive $0xFFFF  }
0x41: {  	s31 =	simm.s32 $0x2;
	[sflag:s2] =	ssyncpa.u1 $0x1  }
0x42: {  	[sflag:s31] =	ssyncpa.u1 $0x1  }
0x43: {  	p0 =	sne.s32 s0, $0x0;
	_ =	strace $0x9000004A  }
0x44: {  	s0 =	sadd.s32 @!p0 $0x100000, s1;
	[bflag:$0x2] =	sbarrier.arrive $0xFFFF  }
0x45: {  	[sflag:s0] =	ssyncadd.tile.s32 @!p0 $0x1;
	_ =	shalt  }
.Lfunc_end1:
_tile_overlayer_lowered:
.L_overlay_start_2:
0x46: {  	(tag) =	ssettag $0x2  }
0x47: {  	s0 =	rddreg [dreg:$0x0];
	s2 =	stileid.u32  }
0x48: {  	s1 =	rddreg [dreg:$0x1];
	p0 =	sne.s32 s2, $0x0  }
0x49: {  	s3 =	rddreg [dreg:$0x2];
	[bflag:$0x3] =	sbarrier.arrive $0xFFFF;
	s2 =	simm.s32 @!p0 $0x1C01  }
0x4a: {  	[timem:s3], [sflag:s2] =	dma.local @!p0 [hbm:s0], s1  }
0x4b: {  	s0 =	simm.s32 @!p0 $0x1  }
0x4c: {  	_ =	swait.ge @!p0 [sflag:s0], s1  }
0x4d: {  	s1 =	ssub.s32 @!p0 $0x0, s1;
	[sflag:s0] =	ssyncset.done @!p0 $0x0  }
0x4e: {  	[sflag:s0] =	ssyncadd.s32 @!p0 s1  }
0x4f: {  	[bflag:$0x3] =	sbarrier.arrive $0xFFFF  }
0x50: {  	_ =	shalt  }

// kernel: sparse-core-data-format-call.cloned.1.call-start
scs
called_computation_lowered:
.L_overlay_start_0:
0x0: {  	s2 =	sld [smem:$0x3FD9]  }
0x1: {  	s3 =	sld [smem:$0x3FFE];
	_ =	sdelay $0x1  }
0x2: {  	s1 =	srdreg.scid  }
0x3: {  	s0 =	sand.u32 $0x1, s1  }
0x4: {  	s18 =	sshll.u32 s0, $0xA;
	s2 =	sadd.s32 s3, s2  }
0x5: {  	s2 =	sadd.s32 s2, s18  }
0x6: {  	[smem:$0x3FC6] =	sst s2  }
0x7: {  	_ = 	snop  }
0x8: {  	s2 =	sld [smem:$0x3FD0];
	(tm) =	ssettm $0x1  }
0x9: {  	s19 =	sld [smem:$0x3FFB];
	_ =	sdelay $0x3  }
0xa: {  	_ =	strace s19  }
0xb: {  	s3 =	sld [smem:$0x3FFC];
	_ =	sdelay $0x3  }
0xc: {  	_ =	strace s3  }
0xd: {  	s3 =	sld [smem:$0x3FFD];
	_ =	sdelay $0x3  }
0xe: {  	_ =	strace s3  }
0xf: {  	_ =	strace $0x8FFFFFFF  }
0x10: {  	s20 =	sld [smem:$0x3FDB];
	_ =	sdelay $0x1  }
0x11: {  	s4 =	simm.s32 $_scs_section_size  }
0x12: {  	s5 =	simm.s32 $_size__tile_overlayer_lowered;
	s6 =	simm.s32 $_tile_overlayer_lowered  }
0x13: {  	s23 =	simm.s32 $0x1BFF;
	s22 =	sshll.u32 s6, $0x1;
	s3 =	sadd.s32 s4, s20  }
0x14: {  	s7 =	simm.s32 $0x0;
	s21 =	sshll.u32 s5, $0x1;
	s5 =	sadd.s32 s22, s3  }
0x15: {  	[timem:s7], [sflag:s23] =	dma.local [hbm:s5], s21  }
0x16: {  	_ =	swait.ge [sflag:s23], s21  }
0x17: {  	s4 =	ssub.s32 $0x0, s21;
	[sflag:s23] =	ssyncset.done $0x0  }
0x18: {  	[sflag:s23] =	ssyncadd.s32 s4;
	_ =	sdelay $0x1  }
0x19: {  	s24 =	simm.s32 $0x1B8B  }
0x1a: {  	_ =	swait.ge [sflag:s24], $0x1  }
0x1b: {  	[sflag:s24] =	ssyncset.done $0x0  }
0x1c: {  	s26 =	simm.s32 $0x1B8E;
	s25 =	sld [smem:$0x3FFE];
	[sflag:s24] =	ssyncadd.s32 $0xFFFFFFFF  }
0x1d: {  	s27 =	simm.s32 $execute0_lowered;
	[smem:$0x3FD2] =	sst s26  }
0x1e: {  	s5 =	sshll.u32 s27, $0x1;
	_ =	strace $0x8000004C;
	[dreg:$0x1] =	wrdreg $0xFFFFFFFF  }
0x1f: {  	s28 =	simm.s32 $_size_execute0_lowered;
	s3 =	sadd.s32 s3, s5;
	[dreg:$0x0] =	wrdreg $0x0  }
0x20: {  	s5 =	sshll.u32 s28, $0x1;
	[dreg:$0x2] =	wrdreg s3  }
0x21: {  	[dreg:$0x3] =	wrdreg s5  }
0x22: {  	[dreg:$0x4] =	wrdreg $0xC0  }
0x23: {  	_ =	task [dreg:s7], $0x5FFFF  }
0x24: {  	[dreg:$0x1] =	wrdreg $0xFFFFFFFF  }
0x25: {  	[dreg:$0x0] =	wrdreg $0x60  }
0x26: {  	[dreg:$0x2] =	wrdreg s25  }
0x27: {  	[dreg:$0x3] =	wrdreg s2  }
0x28: {  	[dreg:$0x4] =	wrdreg $0x9  }
0x29: {  	_ =	task.clear_ibuf [dreg:s7], $0x5FFFF;
	_ =	strace $0x9000004C  }
0x2a: {  	s29 =	simm.s32 $0x9;
	_ =	strace $0x8000004E  }
0x2b: {  	_ =	swait.ge [sflag:s29], $0x1  }
0x2c: {  	[sflag:s29] =	ssyncadd.s32 $0xFFFFFFFF  }
0x2d: {  	_ =	strace $0x9000004E  }
0x2e: {  	_ =	sfence  }
0x2f: {  	s30 =	sld [smem:$0x0];
	_ =	sdelay $0x2  }
0x30: {  	s31 =	sshll.u32 s1, $0xD;
	s1 =	sshrl.u32 s1, $0x2  }
0x31: {  	s3 =	sand.u32 $0x4000, s31;
	s1 =	sadd.s32 s1, s30  }
0x32: {  	s0 =	sor.u32 s3, s0;
	s1 =	sshll.u32 s1, $0x11  }
0x33: {  	s0 =	sor.u32 s1, s0  }
0x34: {  	s0 =	sadd.s32 $0x8F2B, s0  }
0x35: {  	[sflag:s0] =	ssyncadd.remote.s32 $0x1  }
0x36: {  	_ =	sfence.sel $0xFFFF  }
0x37: {  	[dreg:$0x0] =	wrdreg $0xFFFFFFFF;
	(pc) =	sbr.abs _section_cstart, $3  }
0x38: {  	[dreg:$0x1] =	wrdreg $0xFFFFFFFF  }
0x39: {  	_ =	task.clear_ibuf [dreg:s7], $0x2FFFF;
	_ =	strace $0x9FFFFFFF  }
0x3a: {  	(tm) =	ssettm $0x7FFFFFFF  }
0x3b: {  	_ =	shalt  }
tec
execute0_lowered:
.L_overlay_start_1:
0x0: {  	(tag) =	ssettag $0x1  }
0x1: {  	s8 =	rddreg [dreg:$0x0]  }
0x2: {  	s2 =	rddreg [dreg:$0x1];
	s1 =	stileid.u32  }
0x3: {  	s4 =	srdreg.scid;
	s0 =	rddreg [dreg:$0x2];
	_ =	strace $0x8000004D  }
0x4: {  	s9 =	simm.s32 $0x1;
	s31 =	simm.s32 $0x2;
	s16 =	simm.s32 $0x0  }
0x5: {  	s17 =	simm.s32 $0x0;
	s11 =	simm.s32 $0x0;
	s12 =	simm.s32 $0x0  }
0x6: {  	s15 =	simm.s32 $0x0;
	s3 =	sshll.u32 s1, $0x1;
	s4 =	sshll.u32 s4, $0x7  }
0x7: {  	s4 =	sand.u32 $0x80, s4;
	s5 =	ssub.s32 $0x20, s3;
	s14 =	smov.u32 s3  }
0x8: {  	s6 =	sshrl.u32 s5, $0x5;
	s5 =	sand.u32 $0x1E, s5;
	s7 =	ssub.s32 $0x4000, s4  }
0x9: {  	p0 =	sne.s32 s5, $0x0;
	s30 =	sshrl.u32 s7, $0x7;
	s7 =	sshrl.u32 s7, $0x8  }
.Ltmp0:
0xa: {  	s9 =	simm.s32 @!p0 $0x0;
	s10 =	sand.u32 $0x1, s30;
	(pc) =	sbr.rel .LBB1_1-.Ltmp0, $4  }
0xb: {  	s5 =	simm.s32 $0x1;
	s6 =	sadd.s32 s9, s6;
	s7 =	sadd.s32 s7, s10  }
0xc: {  	s13 =	smov.u32 s4;
	[sflag:s5] =	ssyncpa.u1 $0x0;
	s6 =	smul.u32 s6, s7  }
0xd: {  	p0 =	por $0x0, $0x0;
	[sflag:s31] =	ssyncpa.u1 $0x0;
	s10 =	simm.s32 $0x80000  }
0xe: {  	s7 =	sadd.s32 $0xE00, s8;
	s8 =	sadd.s32 $0x40E00, s8;
	s9 =	sadd.s32 $0x1, s6  }
.LBB1_7:
0xf: {  	p1 =	slt.u32 s15, $0x2  }
0x10: {  	s19 =	smov.u32 s17;
	p2 =	sgt.s32 @!p1 s17, $0x1E;
	s18 =	sshra.s32 @!p1 s17, $0x1F  }
0x11: {  	p3 =	sgt.s32 @!p1 s16, $0x3F80;
	s20 =	sshra.s32 @!p1 s16, $0x1F;
	p2 =	por !p2, p1  }
0x12: {  	s17 =	sand.u32 @!p1 s18, s17;
	p3 =	por !p3, p1;
	s18 =	smov.u32 s16  }
0x13: {  	s16 =	sand.u32 @!p1 s20, s16;
	s19 =	simm.s32 @p2 $0x1E;
	s18 =	simm.s32 @p3 $0x3F80  }
0x14: {  	s20 =	smov.u32 s14;
	s17 =	ssub.s32 @!p1 s19, s17;
	s16 =	ssub.s32 @!p1 s18, s16  }
0x15: {  	s18 =	sadd.s32 @!p1 $0xFFFFFFE2, s17;
	s17 =	ssub.s32 @!p1 $0x20, s17;
	s19 =	sadd.s32 @!p1 $0xFFFFC080, s16  }
0x16: {  	p2 =	sgt.s32 @!p1 s18, $0x1;
	s17 =	smul.u32 @!p1 $0x32, s17;
	p3 =	sgt.s32 @!p1 s19, $0x7F  }
0x17: {  	s16 =	ssub.s32 @!p1 $0x4000, s16;
	p2 =	por !p2, p1;
	p3 =	por !p3, p1  }
0x18: {  	s18 =	sadd.s32 $0x100, s13;
	s17 =	simm.s32 @!p2 $0x0;
	s16 =	simm.s32 @!p3 $0x0  }
0x19: {  	p2 =	sgt.s32 s18, $0x3FFF;
	s16 =	smul.u32 @!p1 s16, s17;
	s17 =	sadd.s32 $0x20, s14  }
0x1a: {  	s20 =	smov.u32 @p2 s17  }
0x1b: {  	s18 =	smov.u32 @p2 s4;
	p2 =	sgt.s32 s20, $0x1F  }
0x1c: {  	s20 =	smov.u32 @p2 s3;
	p2 =	sne.s32 s15, s9  }
.Ltmp1:
0x1d: {  	p0 =	por !p0, !p0;
	s19 =	simm.s32 @!p1 $0x2;
	(pc) =	sbr.rel @!p2 .LBB1_8-.Ltmp1, $4  }
0x1e: {  	s17 =	smov.u32 s12;
	s12 =	smov.u32 s14;
	s16 =	sand.u32 @!p1 $0x3FFFFFFE, s16  }
0x1f: {  	_ =	swait.ge @!p1 [sflag:s19], s16;
	s21 =	ssub.s32 @!p1 $0x0, s16;
	s16 =	smov.u32 s11  }
0x20: {  	s15 =	sadd.s32 $0x1, s15;
	s11 =	smov.u32 s13;
	[sflag:s19] =	ssyncset.done @!p1 $0x0  }
0x21: {  	s13 =	smov.u32 s18;
	s14 =	smov.u32 s20;
	[sflag:s19] =	ssyncadd.s32 @!p1 s21  }
.LBB1_1:
0x22: {  	p1 =	sge.u32 s15, s6  }
0x23: {  	s18 =	sxor.u32 @!p1 $0xFFFFFFFF, s15;
	s19 =	sshll.u32 @!p1 s14, $0x12  }
0x24: {  	s20 =	sshll.u32 @!p1 s13, $0x4;
	s22 =	simm.s32 @!p1 $0x40;
	s23 =	simm.s32 @!p1 $0x80  }
0x25: {  	s18 =	sshll.u32 @!p1 s18, $0xE;
	s20 =	sand.u32 @!p1 $0x3FFF0, s20;
	s21 =	sadd.s32 @!p1 s7, s19  }
0x26: {  	s19 =	sadd.s32 @!p1 s19, s8;
	s18 =	sand.u32 @!p1 $0x4000, s18;
	s21 =	sadd.s32 @!p1 s20, s21  }
0x27: {  	[tilespmem:s18], [sflag:$0x1] =	stream.strided.gather @!p1 [hbm4b:s21+s22], $0x2000, s23, s22, $0x38;
	[tilespmem:$0x10100] =	vst v63  }
0x28: {  	s31 =	sadd.s32 $0xFFFFFFFF, s15;
	s19 =	sadd.s32 @!p1 s20, s19;
	s18 =	sor.u32 @!p1 $0x2000, s18  }
0x29: {  	[tilespmem:s18], [sflag:$0x1] =	stream.strided.gather @!p1 [hbm4b:s19+s22], $0x2000, s23, s22, $0x38;
	[tilespmem:$0x10100] =	vst v63  }
0x2a: {  	p1 =	sge.u32 s31, s6  }
.Ltmp2:
0x2b: {  	_ = 	snop;
	(pc) =	sbr.rel @p1 .LBB1_7-.Ltmp2, $1  }
0x2c: {  	_ =	sdelay $0x3  }
0x2d: {  	s18 =	simm.s32 $0x1;
	s20 =	sand.u32 $0x1, s15  }
0x2e: {  	_ =	swait.ge [sflag:s5], $0x4000;
	s18 =	simm.s32 @!p0 $0x0;
	s20 =	smul.u32 $0x10200, s20  }
0x2f: {  	p2 =	por $0x1, $0x1;
	[sflag:s5] =	ssyncset.done $0x0;
	s19 =	smul.u32 $0x10200, s18  }
0x30: {  	s21 =	sshll.u32 s18, $0x10;
	[sflag:s5] =	ssyncadd.s32 $0xFFFFC000;
	s30 =	sshrl.u32 s20, $0x2  }
0x31: {  	s31 =	sshrl.u32 s21, $0x2;
	s21 =	simm.s32 $0x0;
	s19 =	sshrl.u32 s19, $0x2  }
0x32: {  	s18 =	sor.u32 $0x8000, s30;
	s20 =	sadd.s32 $0x20, s31;
	s19 =	sor.u32 $0x8000, s19  }
.LBB1_3:
0x33: {  	s22 =	sshll.u32 s21, $0xD  }
0x34: {  	s22 =	sand.u32 $0x3FFFE000, s22  }
0x35: {  	s24 =	sadd.s32 s22, s20  }
0x36: {  	s31 =	smul.u32 $0x204, s21;
	v3 =	vld [tilespmem:s24+$0x10]  }
0x37: {  	v1 =	vld [tilespmem:s24+$0xFFFFFFF0]  }
0x38: {  	s21 =	sshra.s32 s31, $0x2;
	v0 =	vld [tilespmem:s24+$0x0]  }
0x39: {  	s21 =	sadd.s32 s21, s19;
	v2 =	vld [tilespmem:s24+$0xFFFFFFE0]  }
0x3a: {  	s22 =	sadd.s32 $0x0, s21  }
0x3b: {  	p1 =	por p2, p2;
	s23 =	simm.s32 $0x4;
	s24 =	sadd.s32 $0x40, s24;
	[tilespmem:s22+$0x3060 ss:$0x102] =	vst.msk $0xffff, v3  }
.LBB1_4:
0x3c: {  	v3 =	vld [tilespmem:s24+$0x10];
	p2 =	sne.s32 s23, $0x1FC;
	[tilespmem:s22+$0x1020 ss:$0x102] =	vst.msk $0xffff, v1;
	s25 =	smov.u32 s23;
	s23 =	sadd.s32 $0x4, s23  }
.Ltmp3:
0x3d: {  	v1 =	vld [tilespmem:s24+$0xFFFFFFF0];
	[tilespmem:s22+$0x2040 ss:$0x102] =	vst.msk $0xffff, v0;
	(pc) =	sbr.rel @p2 .LBB1_4-.Ltmp3, $4  }
0x3e: {  	v0 =	vld [tilespmem:s24+$0x0];
	[tilespmem:s22+$0x0 ss:$0x102] =	vst.msk $0xffff, v2  }
0x3f: {  	s22 =	sshra.s32 s25, $0x2;
	v2 =	vld [tilespmem:s24+$0xFFFFFFE0]  }
0x40: {  	s22 =	sadd.s32 s22, s21  }
0x41: {  	s24 =	sadd.s32 $0x40, s24;
	[tilespmem:s22+$0x3060 ss:$0x102] =	vst.msk $0xffff, v3  }
.Ltmp4:
0x42: {  	(pc) =	sbr.rel @p1 .LBB1_3-.Ltmp4, $4  }
0x43: {  	_ = 	snop  }
0x44: {  	[tilespmem:s22+$0x1020 ss:$0x102] =	vst.msk $0xffff, v1  }
0x45: {  	[tilespmem:s22+$0x2040 ss:$0x102] =	vst.msk $0xffff, v0  }
0x46: {  	s21 =	simm.s32 $0x1;
	p2 =	por $0x0, $0x0;
	[tilespmem:s22+$0x0 ss:$0x102] =	vst.msk $0xffff, v2  }
0x47: {  	s19 =	sand.u32 $0x78, s11;
	p1 =	sgt.s32 s12, $0x1E;
	s20 =	smov.u32 s12  }
0x48: {  	s21 =	sshra.s32 s12, $0x1F;
	s22 =	sshll.u32 s12, $0xE;
	s23 =	sshll.u32 s11, $0x3  }
0x49: {  	s30 =	sshra.s32 s11, $0x1F;
	s25 =	sshll.u32 s12, $0x7;
	s20 =	simm.s32 @!p1 $0x1E  }
0x4a: {  	s21 =	sand.u32 s21, s12;
	s22 =	sand.u32 $0x60000, s22;
	p1 =	sgt.s32 s11, $0x3F80  }
0x4b: {  	s25 =	sand.u32 $0x380, s25;
	s20 =	ssub.s32 s20, s21;
	s21 =	smov.u32 s11  }
0x4c: {  	s22 =	sadd.s32 s22, s23;
	s24 =	sadd.s32 $0xFFFFFFE2, s20;
	s21 =	simm.s32 @!p1 $0x3F80  }
0x4d: {  	s20 =	ssub.s32 $0x20, s20;
	p1 =	sgt.s32 s24, $0x1;
	s24 =	sand.u32 s30, s11  }
0x4e: {  	s23 =	sand.u32 $0x3C00, s23;
	s20 =	smul.u32 $0x32, s20;
	s21 =	ssub.s32 s21, s24  }
0x4f: {  	s19 =	sor.u32 s25, s19;
	s22 =	sand.u32 $0x7C000, s22;
	s24 =	sadd.s32 $0xFFFFC080, s21  }
0x50: {  	s20 =	simm.s32 @p1 $0x0;
	s21 =	ssub.s32 $0x4000, s21;
	p1 =	sgt.s32 s24, $0x7F  }
.Ltmp5:
0x51: {  	s19 =	sor.u32 s23, s19;
	s21 =	simm.s32 @p1 $0x0;
	(pc) =	sbr.rel .LBB1_7-.Ltmp5, $4  }
0x52: {  	s31 =	sand.u32 $0x7, s11;
	s19 =	sor.u32 s22, s19;
	s20 =	smul.u32 s21, s20  }
0x53: {  	s19 =	sshrl.u32 s19, $0x3;
	s21 =	sshll.u32 s31, $0x12  }
0x54: {  	s19 =	sadd.s32 s2, s19;
	s21 =	sor.u32 $0x100, s21;
	s20 =	sand.u32 $0x3FFFFFFE, s20  }
0x55: {  	[hbm4b:s19+s21] =	stream.strided.scatter [tilespmem:s18], [sflag:$0x2], s20, s10, s21, $0x20;
	[tilespmem:$0x10100] =	vst v63  }
.LBB1_8:
0x56: {  	_ =	sfence.sel $0x180000  }
0x57: {  	s2 =	simm.s32 $0x1;
	[bflag:$0x0] =	sbarrier.arrive $0xFFFF  }
0x58: {  	s31 =	simm.s32 $0x2;
	[sflag:s2] =	ssyncpa.u1 $0x1  }
0x59: {  	[sflag:s31] =	ssyncpa.u1 $0x1  }
0x5a: {  	p0 =	sne.s32 s1, $0x0;
	_ =	strace $0x9000004D  }
0x5b: {  	s0 =	sadd.s32 @!p0 $0x100000, s0;
	[bflag:$0x2] =	sbarrier.arrive $0xFFFF  }
0x5c: {  	[sflag:s0] =	ssyncadd.tile.s32 @!p0 $0x1;
	_ =	shalt  }
.Lfunc_end1:
_tile_overlayer_lowered:
.L_overlay_start_2:
0x5d: {  	(tag) =	ssettag $0x2  }
0x5e: {  	s0 =	rddreg [dreg:$0x0];
	s2 =	stileid.u32  }
0x5f: {  	s1 =	rddreg [dreg:$0x1];
	p0 =	sne.s32 s2, $0x0  }
0x60: {  	s3 =	rddreg [dreg:$0x2];
	[bflag:$0x3] =	sbarrier.arrive $0xFFFF;
	s2 =	simm.s32 @!p0 $0x1C01  }
0x61: {  	[timem:s3], [sflag:s2] =	dma.local @!p0 [hbm:s0], s1  }
0x62: {  	s0 =	simm.s32 @!p0 $0x1  }
0x63: {  	_ =	swait.ge @!p0 [sflag:s0], s1  }
0x64: {  	s1 =	ssub.s32 @!p0 $0x0, s1;
	[sflag:s0] =	ssyncset.done @!p0 $0x0  }
0x65: {  	[sflag:s0] =	ssyncadd.s32 @!p0 s1  }
0x66: {  	[bflag:$0x3] =	sbarrier.arrive $0xFFFF  }
0x67: {  	_ =	shalt  }

</sc_bundles>
